<compile_context>
chip_gen: v7x
topology: tpu7x:2x2x1
jax: 0.10.2.dev20260603
libtpu: 0.0.44.dev20260713+nightly
codegen_flags: <defaults>
</compile_context>

<pallas_src>
import functools

import jax
import jax.numpy as jnp
from jax import lax
from jax.experimental import pallas as pl
from jax.experimental.pallas import tpu as pltpu
from jax.experimental.pallas import tpu_sc as plsc

B = 1024
MAX_LEN = 200
ENTIRE = 196
REGION = 5
EMB = 16
NUM_CLASSES = 1000

NC = 2
NS = 16
NW = NC * NS
B_PER_W = B // NW

VOCAB = 100000
DET_CH = 160
DET_NCHUNK = VOCAB // DET_CH
DET_KK = -(-DET_NCHUNK // NW)


@functools.partial(
    pl.kernel,
    out_type=jax.ShapeDtypeStruct((VOCAB * REGION * EMB,), jnp.float32),
    mesh=plsc.VectorSubcoreMesh(core_axis_name="c", subcore_axis_name="s"),
    scratch_types=[
        pltpu.VMEM((DET_CH, REGION * EMB), jnp.float32),
        pltpu.VMEM((DET_CH * REGION * EMB,), jnp.float32),
        pltpu.SemaphoreType.DMA,
    ],
)
def _sc_detile(tab_hbm, out_hbm, tbuf, fbuf, sem):
    wid = lax.axis_index("s") * NC + lax.axis_index("c")
    d = REGION * EMB

    def do_chunk(kk, carry):
        c = wid + NW * kk

        @pl.when(c < DET_NCHUNK)
        def _():
            cp = pltpu.make_async_copy(tab_hbm.at[pl.ds(c * DET_CH, DET_CH)],
                                       tbuf, sem)
            cp.start()
            cp.wait()

            def row(r, cr):
                for k in range(d // 16):
                    fbuf[pl.ds(r * d + 16 * k, 16)] = tbuf[r, pl.ds(16 * k, 16)]
                return cr

            lax.fori_loop(0, DET_CH, row, 0)
            out = pltpu.make_async_copy(
                fbuf, out_hbm.at[pl.ds(c * DET_CH * d, DET_CH * d)], sem)
            out.start()
            out.wait()

        return carry

    lax.fori_loop(0, DET_KK, do_chunk, 0)


def _sc_body(train_hbm, region_hbm, word_hbm, out_hbm,
             tokens_v, rbuf_a, wbuf_a, rbuf_b, wbuf_b, nout, sem_a, sem_b):
    wid = lax.axis_index("s") * NC + lax.axis_index("c")
    base = wid * B_PER_W
    pltpu.sync_copy(train_hbm.at[pl.ds(base, B_PER_W)], tokens_v)

    def copies(row, rbuf, wbuf, sem):
        i0 = tokens_v.at[row, pl.ds(0, 104)]
        i1 = tokens_v.at[row, pl.ds(104, 96)]
        return (
            pltpu.make_async_copy(region_hbm.at[i0], rbuf.at[pl.ds(0, 104)], sem),
            pltpu.make_async_copy(region_hbm.at[i1], rbuf.at[pl.ds(104, 96)], sem),
            pltpu.make_async_copy(word_hbm.at[i0], wbuf.at[pl.ds(0, 104)], sem),
            pltpu.make_async_copy(word_hbm.at[i1], wbuf.at[pl.ds(104, 96)], sem),
        )

    def fire(row, rbuf, wbuf, sem):
        for c in copies(row, rbuf, wbuf, sem):
            c.start()

    def drain(row, rbuf, wbuf, sem):
        for c in copies(row, rbuf, wbuf, sem):
            c.wait()

    def compute(bi, rbuf, wbuf):
        def wvec(w):
            return wbuf[w]

        def group(row, wv, ps, m=None):
            for p in ps:
                pr = rbuf[row, pl.ds(16 * p, 16)] * wv[p]
                m = pr if m is None else jnp.maximum(m, pr)
            return m

        wv = [wvec(p) for p in range(5)]
        acc = group(2, wv, range(5))
        stash = [group(39 * q + 2, wv, range(q, 5)) for q in range(1, 5)]

        def blk_body(blk, acc):
            wv = [wvec(5 * blk + p) for p in range(5)]
            for q in range(5):
                acc = acc + group(blk + 39 * q + 2, wv, range(5))
            return acc

        acc = lax.fori_loop(1, 39, blk_body, acc)

        wv = [wvec(195 + p) for p in range(5)]
        for q in range(4):
            acc = acc + group(39 * (q + 1) + 2, wv, range(q + 1), stash[q])
        acc = acc + group(197, wv, range(5))
        nout[bi] = acc

    last = B_PER_W - 1
    fire(0, rbuf_a, wbuf_a, sem_a)

    def do_pair(k, carry):
        g = 2 * k
        fire(jnp.minimum(g + 1, last), rbuf_b, wbuf_b, sem_b)
        drain(g, rbuf_a, wbuf_a, sem_a)
        compute(g, rbuf_a, wbuf_a)
        fire(jnp.minimum(g + 2, last), rbuf_a, wbuf_a, sem_a)
        drain(g + 1, rbuf_b, wbuf_b, sem_b)
        compute(g + 1, rbuf_b, wbuf_b)
        return carry

    lax.fori_loop(0, B_PER_W // 2, do_pair, 0)
    drain(last, rbuf_a, wbuf_a, sem_a)
    pltpu.sync_copy(nout, out_hbm.at[pl.ds(base, B_PER_W)])


@functools.partial(
    pl.kernel,
    out_type=jax.ShapeDtypeStruct((B, EMB), jnp.float32),
    mesh=plsc.VectorSubcoreMesh(core_axis_name="c", subcore_axis_name="s"),
    compiler_params=pltpu.CompilerParams(use_tc_tiling_on_sc=False),
    scratch_types=[
        pltpu.VMEM((B_PER_W, MAX_LEN), jnp.int32),
        pltpu.VMEM((MAX_LEN, REGION * EMB), jnp.float32),
        pltpu.VMEM((MAX_LEN, EMB), jnp.float32),
        pltpu.VMEM((MAX_LEN, REGION * EMB), jnp.float32),
        pltpu.VMEM((MAX_LEN, EMB), jnp.float32),
        pltpu.VMEM((B_PER_W, EMB), jnp.float32),
        pltpu.SemaphoreType.DMA,
        pltpu.SemaphoreType.DMA,
    ],
)
def _sc_nointer(train_hbm, region_hbm, word_hbm, out_hbm,
                tokens_v, rbuf_a, wbuf_a, rbuf_b, wbuf_b, nout, sem_a, sem_b):
    _sc_body(train_hbm, region_hbm, word_hbm, out_hbm,
             tokens_v, rbuf_a, wbuf_a, rbuf_b, wbuf_b, nout, sem_a, sem_b)


def _mlp_body(x_ref, w1_ref, b1_ref, w2_ref, b2_ref,
              logits_ref, prob_ref, cls_ref):
    x = x_ref[...]
    h = lax.dot_general(x, w1_ref[...], (((1,), (1,)), ((), ())),
                        preferred_element_type=jnp.float32) + b1_ref[...]
    h = jnp.maximum(h, 0.0)
    logits = lax.dot_general(h, w2_ref[...], (((1,), (1,)), ((), ())),
                             preferred_element_type=jnp.float32) + b2_ref[...]
    logits_ref[...] = logits
    mx = jnp.max(logits, axis=1, keepdims=True)
    e = jnp.exp(logits - mx)
    s = jnp.sum(e, axis=1, keepdims=True)
    prob_ref[...] = e / s
    idx = lax.broadcasted_iota(jnp.int32, logits.shape, 1)
    cand = jnp.where(logits == mx, idx, NUM_CLASSES)
    cls_ref[...] = jnp.min(cand, axis=1, keepdims=True)


def kernel(train_input, region_table, word_table, W1, b1, W2, b2):
    region_lin = _sc_detile(region_table).reshape(VOCAB, REGION * EMB)
    nointer = _sc_nointer(train_input, region_lin, word_table)

    logits, prob, cls = pl.pallas_call(
        _mlp_body,
        out_shape=[
            jax.ShapeDtypeStruct((B, NUM_CLASSES), jnp.float32),
            jax.ShapeDtypeStruct((B, NUM_CLASSES), jnp.float32),
            jax.ShapeDtypeStruct((B, 1), jnp.int32),
        ],
    )(nointer, W1, b1.reshape(1, -1), W2, b2.reshape(1, -1))
    return (logits, prob, cls.reshape(-1))

# --- scband reference (transcript-rebuilt; emitter-appended) ---
"""Pipeline reference for scband-exam-encoder-24352464569855 (READ-ONLY COPY).

The authoritative reference and input builder live on the scoring server;
editing this copy changes nothing except your own understanding.
"""

import jax, jax.numpy as jnp
import numpy as np

VOCAB = 100000
EMB = 16
REGION = 5
NUM_CLASSES = 1000
MAX_LEN = 200
R = REGION // 2
ENTIRE = MAX_LEN - 2 * R
B = 1024


def setup_inputs(seed: int = 0) -> dict:
    key = jax.random.key(seed)
    k1, k2, k3, k4, k5 = jax.random.split(key, 5)
    train_input = jax.random.randint(k1, (B, MAX_LEN), 0, VOCAB, dtype=jnp.int32)
    region_table = jax.random.uniform(k2, (VOCAB, REGION * EMB), minval=-0.01, maxval=0.01, dtype=jnp.float32)
    region_table = region_table.at[0].set(0.0)  # padding_idx=0
    word_table = jax.random.uniform(k3, (VOCAB, EMB), minval=-0.01, maxval=0.01, dtype=jnp.float32)
    word_table = word_table.at[0].set(0.0)  # padding_idx=0
    lim1 = float(np.sqrt(6.0 / (EMB + 2 * MAX_LEN)))
    W1 = jax.random.uniform(k4, (2 * MAX_LEN, EMB), minval=-lim1, maxval=lim1, dtype=jnp.float32)
    b1 = jnp.zeros((2 * MAX_LEN,), dtype=jnp.float32)
    lim2 = float(np.sqrt(6.0 / (2 * MAX_LEN + NUM_CLASSES)))
    W2 = jax.random.uniform(k5, (NUM_CLASSES, 2 * MAX_LEN), minval=-lim2, maxval=lim2, dtype=jnp.float32)
    b2 = jnp.zeros((NUM_CLASSES,), dtype=jnp.float32)
    return {"train_input": train_input, "region_table": region_table, "word_table": word_table,
            "W1": W1, "b1": b1, "W2": W2, "b2": b2}


def reference(train_input, region_table, word_table, W1, b1, W2, b2):
    batch_size, length = train_input.shape
    trimed_seq = train_input[:, R:length - R]                      # [B, entire]
    K = jnp.take(region_table, trimed_seq, axis=0)                 # [B, entire, region*emb]
    K = K.reshape(batch_size, -1, REGION, EMB)                     # [B, entire, region, emb]
    E = jnp.stack([train_input[:, nu - R:nu - R + REGION] for nu in range(R, length - R)], axis=0)  # [entire, B, region]
    E = jnp.swapaxes(E, 0, 1)                                      # [B, entire, region]
    E = jnp.swapaxes(E, 1, 2)                                      # [B, region, entire]
    Eemb = jnp.take(word_table, E, axis=0)                         # [B, region, entire, emb]
    Eemb = Eemb.reshape(batch_size, ENTIRE, REGION, EMB)           # faithful raw reshape as in torch
    NoInter = jnp.max(Eemb * K, axis=2)                            # [B, entire, emb]
    NoInter = jnp.sum(NoInter, axis=1)                             # [B, emb]
    # eval mode: dropout is identity (also first dropout result is discarded in original code)
    Agreg = NoInter @ W1.T + b1
    Agreg = jax.nn.relu(Agreg)
    Agreg = Agreg @ W2.T + b2
    prob = jax.nn.softmax(Agreg, axis=1)
    class_ = jnp.argmax(prob, axis=1)
    return (Agreg, prob, class_)

if __name__ == "__main__":
    import jax
    _d = setup_inputs()
    print(jax.jit(kernel)(*tuple(_d.values())))

</pallas_src>

<mosaic_0001>
#map = affine_map<(d0, d1) -> (0, 0)>
module attributes {stable_mosaic.version = 14 : i64} {
  func.func @_sc_nointer(%arg0: i32, %arg1: i32, %arg2: memref<1024x200xi32, #tpu.memory_space<hbm>>, %arg3: memref<100000x80xf32, #tpu.memory_space<hbm>>, %arg4: memref<100000x16xf32, #tpu.memory_space<hbm>>, %arg5: memref<1024x16xf32, #tpu.memory_space<hbm>>, %arg6: memref<32x200xi32, #tpu.memory_space<vmem>>, %arg7: memref<200x80xf32, #tpu.memory_space<vmem>>, %arg8: memref<200x16xf32, #tpu.memory_space<vmem>>, %arg9: memref<200x80xf32, #tpu.memory_space<vmem>>, %arg10: memref<200x16xf32, #tpu.memory_space<vmem>>, %arg11: memref<32x16xf32, #tpu.memory_space<vmem>>, %arg12: memref<!tpu.dma_semaphore, #tpu.memory_space<semaphore_mem>>, %arg13: memref<!tpu.dma_semaphore, #tpu.memory_space<semaphore_mem>>) attributes {dimension_semantics = [#tpu.dimension_semantics<core_parallel>, #tpu.dimension_semantics<subcore_parallel>], iteration_bounds = array<i64: 2, 16>, scalar_prefetch = 0 : i64, scratch_operands = 8 : i64, tpu.core_type = #tpu.core_type<sc_vector_subcore>, window_params = [{transform_indices = #map}, {transform_indices = #map}, {transform_indices = #map}, {transform_indices = #map}]} {
    %mul3A = arith.constant 2 : i32
    %mul3A_0 = arith.muli %arg1, %mul3A : i32
    %add3A = arith.addi %mul3A_0, %arg0 : i32
    %mul3A_1 = arith.constant 32 : i32
    %mul3A_2 = arith.muli %add3A, %mul3A_1 : i32
    "tpu.region"() ({
      %run_scoped3A = tpu.sem_alloc : memref<!tpu.dma_semaphore, #tpu.memory_space<semaphore_mem>>
      %dma_start3A_86 = arith.constant 0 : i32
      %dma_start3A_87 = tpu.memref_slice %arg2[%mul3A_2, %dma_start3A_86] : memref<1024x200xi32, #tpu.memory_space<hbm>> -> memref<32x200xi32, #tpu.memory_space<hbm>>
      %dma_start3A_88 = arith.constant 0 : i32
      %dma_start3A_89 = tpu.memref_slice %arg2[%mul3A_2, %dma_start3A_88] : memref<1024x200xi32, #tpu.memory_space<hbm>> -> memref<32x200xi32, #tpu.memory_space<hbm>>
      tpu.enqueue_dma source(%dma_start3A_89 : memref<32x200xi32, #tpu.memory_space<hbm>>) target(%arg6 : memref<32x200xi32, #tpu.memory_space<vmem>>) target_semaphore(%run_scoped3A : memref<!tpu.dma_semaphore, #tpu.memory_space<semaphore_mem>>)
      %dma_wait3A_90 = arith.constant 0 : i32
      %dma_wait3A_91 = tpu.memref_slice %arg2[%mul3A_2, %dma_wait3A_90] : memref<1024x200xi32, #tpu.memory_space<hbm>> -> memref<32x200xi32, #tpu.memory_space<hbm>>
      %dma_wait3A_92 = arith.constant 0 : i32
      %dma_wait3A_93 = tpu.memref_slice %arg2[%mul3A_2, %dma_wait3A_92] : memref<1024x200xi32, #tpu.memory_space<hbm>> -> memref<32x200xi32, #tpu.memory_space<hbm>>
      tpu.wait_dma2 semaphore(%run_scoped3A : memref<!tpu.dma_semaphore, #tpu.memory_space<semaphore_mem>>) src(%dma_wait3A_93 : memref<32x200xi32, #tpu.memory_space<hbm>>) dst(%arg6 : memref<32x200xi32, #tpu.memory_space<vmem>>)
      tpu.yield
    }) : () -> ()
    %dma_start3A = arith.constant 0 : i32
    %dma_start3A_3 = arith.constant 0 : i32
    %dma_start3A_4 = arith.constant 0 : i32
    %dma_start3A_5 = tpu.memref_slice %arg7[%dma_start3A_3, %dma_start3A_4] : memref<200x80xf32, #tpu.memory_space<vmem>> -> memref<104x80xf32, #tpu.memory_space<vmem>>
    %dma_start3A_6 = arith.constant 0 : i32
    %dma_start3A_7 = tpu.memref_slice %arg6[%dma_start3A, %dma_start3A_6] : memref<32x200xi32, #tpu.memory_space<vmem>> -> memref<1x104xi32, #tpu.memory_space<vmem>>
    %dma_start3A_8 = tpu.memref_squeeze %dma_start3A_7 : memref<1x104xi32, #tpu.memory_space<vmem>> -> memref<104xi32, #tpu.memory_space<vmem>>
    %dma_start3A_9 = arith.constant 0 : i32
    %dma_start3A_10 = arith.constant 0 : i32
    %dma_start3A_11 = tpu.memref_slice %arg3[%dma_start3A_9, %dma_start3A_10] : memref<100000x80xf32, #tpu.memory_space<hbm>> -> memref<100000x80xf32, #tpu.memory_space<hbm>>
    tpu.enqueue_indirect_dma source(%dma_start3A_11 : memref<100000x80xf32, #tpu.memory_space<hbm>>) target(%dma_start3A_5 : memref<104x80xf32, #tpu.memory_space<vmem>>) offsets(%dma_start3A_8 : memref<104xi32, #tpu.memory_space<vmem>>) semaphore(%arg12 : memref<!tpu.dma_semaphore, #tpu.memory_space<semaphore_mem>>)
    %dma_start3A_12 = arith.constant 0 : i32
    %dma_start3A_13 = arith.constant 104 : i32
    %dma_start3A_14 = arith.constant 0 : i32
    %dma_start3A_15 = tpu.memref_slice %arg7[%dma_start3A_13, %dma_start3A_14] : memref<200x80xf32, #tpu.memory_space<vmem>> -> memref<96x80xf32, #tpu.memory_space<vmem>>
    %dma_start3A_16 = arith.constant 104 : i32
    %dma_start3A_17 = tpu.memref_slice %arg6[%dma_start3A_12, %dma_start3A_16] : memref<32x200xi32, #tpu.memory_space<vmem>> -> memref<1x96xi32, #tpu.memory_space<vmem>>
    %dma_start3A_18 = tpu.memref_squeeze %dma_start3A_17 : memref<1x96xi32, #tpu.memory_space<vmem>> -> memref<96xi32, #tpu.memory_space<vmem>>
    %dma_start3A_19 = arith.constant 0 : i32
    %dma_start3A_20 = arith.constant 0 : i32
    %dma_start3A_21 = tpu.memref_slice %arg3[%dma_start3A_19, %dma_start3A_20] : memref<100000x80xf32, #tpu.memory_space<hbm>> -> memref<100000x80xf32, #tpu.memory_space<hbm>>
    tpu.enqueue_indirect_dma source(%dma_start3A_21 : memref<100000x80xf32, #tpu.memory_space<hbm>>) target(%dma_start3A_15 : memref<96x80xf32, #tpu.memory_space<vmem>>) offsets(%dma_start3A_18 : memref<96xi32, #tpu.memory_space<vmem>>) semaphore(%arg12 : memref<!tpu.dma_semaphore, #tpu.memory_space<semaphore_mem>>)
    %dma_start3A_22 = arith.constant 0 : i32
    %dma_start3A_23 = arith.constant 0 : i32
    %dma_start3A_24 = arith.constant 0 : i32
    %dma_start3A_25 = tpu.memref_slice %arg8[%dma_start3A_23, %dma_start3A_24] : memref<200x16xf32, #tpu.memory_space<vmem>> -> memref<104x16xf32, #tpu.memory_space<vmem>>
    %dma_start3A_26 = arith.constant 0 : i32
    %dma_start3A_27 = tpu.memref_slice %arg6[%dma_start3A_22, %dma_start3A_26] : memref<32x200xi32, #tpu.memory_space<vmem>> -> memref<1x104xi32, #tpu.memory_space<vmem>>
    %dma_start3A_28 = tpu.memref_squeeze %dma_start3A_27 : memref<1x104xi32, #tpu.memory_space<vmem>> -> memref<104xi32, #tpu.memory_space<vmem>>
    %dma_start3A_29 = arith.constant 0 : i32
    %dma_start3A_30 = arith.constant 0 : i32
    %dma_start3A_31 = tpu.memref_slice %arg4[%dma_start3A_29, %dma_start3A_30] : memref<100000x16xf32, #tpu.memory_space<hbm>> -> memref<100000x16xf32, #tpu.memory_space<hbm>>
    tpu.enqueue_indirect_dma source(%dma_start3A_31 : memref<100000x16xf32, #tpu.memory_space<hbm>>) target(%dma_start3A_25 : memref<104x16xf32, #tpu.memory_space<vmem>>) offsets(%dma_start3A_28 : memref<104xi32, #tpu.memory_space<vmem>>) semaphore(%arg12 : memref<!tpu.dma_semaphore, #tpu.memory_space<semaphore_mem>>)
    %dma_start3A_32 = arith.constant 0 : i32
    %dma_start3A_33 = arith.constant 104 : i32
    %dma_start3A_34 = arith.constant 0 : i32
    %dma_start3A_35 = tpu.memref_slice %arg8[%dma_start3A_33, %dma_start3A_34] : memref<200x16xf32, #tpu.memory_space<vmem>> -> memref<96x16xf32, #tpu.memory_space<vmem>>
    %dma_start3A_36 = arith.constant 104 : i32
    %dma_start3A_37 = tpu.memref_slice %arg6[%dma_start3A_32, %dma_start3A_36] : memref<32x200xi32, #tpu.memory_space<vmem>> -> memref<1x96xi32, #tpu.memory_space<vmem>>
    %dma_start3A_38 = tpu.memref_squeeze %dma_start3A_37 : memref<1x96xi32, #tpu.memory_space<vmem>> -> memref<96xi32, #tpu.memory_space<vmem>>
    %dma_start3A_39 = arith.constant 0 : i32
    %dma_start3A_40 = arith.constant 0 : i32
    %dma_start3A_41 = tpu.memref_slice %arg4[%dma_start3A_39, %dma_start3A_40] : memref<100000x16xf32, #tpu.memory_space<hbm>> -> memref<100000x16xf32, #tpu.memory_space<hbm>>
    tpu.enqueue_indirect_dma source(%dma_start3A_41 : memref<100000x16xf32, #tpu.memory_space<hbm>>) target(%dma_start3A_35 : memref<96x16xf32, #tpu.memory_space<vmem>>) offsets(%dma_start3A_38 : memref<96xi32, #tpu.memory_space<vmem>>) semaphore(%arg12 : memref<!tpu.dma_semaphore, #tpu.memory_space<semaphore_mem>>)
    %scan3A = arith.constant 0 : i32
    %scan3A_42 = arith.constant 0 : i32
    %scan3A_43 = arith.constant 16 : i32
    %scan3A_44 = arith.addi %scan3A_42, %scan3A_43 : i32
    %scan3A_45 = arith.constant 1 : i32
    scf.for %scan3A_86 = %scan3A_42 to %scan3A_44 step %scan3A_45  : i32 {
      %mul3A_87 = arith.constant 2 : i32
      %mul3A_88 = arith.muli %mul3A_87, %scan3A_86 : i32
      %add3A_89 = arith.constant 1 : i32
      %add3A_90 = arith.addi %mul3A_88, %add3A_89 : i32
      %min3A = arith.constant 31 : i32
      %min3A_91 = arith.minsi %add3A_90, %min3A : i32
      %dma_start3A_92 = arith.constant 0 : i32
      %dma_start3A_93 = arith.constant 0 : i32
      %dma_start3A_94 = tpu.memref_slice %arg9[%dma_start3A_92, %dma_start3A_93] : memref<200x80xf32, #tpu.memory_space<vmem>> -> memref<104x80xf32, #tpu.memory_space<vmem>>
      %dma_start3A_95 = arith.constant 0 : i32
      %dma_start3A_96 = tpu.memref_slice %arg6[%min3A_91, %dma_start3A_95] : memref<32x200xi32, #tpu.memory_space<vmem>> -> memref<1x104xi32, #tpu.memory_space<vmem>>
      %dma_start3A_97 = tpu.memref_squeeze %dma_start3A_96 : memref<1x104xi32, #tpu.memory_space<vmem>> -> memref<104xi32, #tpu.memory_space<vmem>>
      %dma_start3A_98 = arith.constant 0 : i32
      %dma_start3A_99 = arith.constant 0 : i32
      %dma_start3A_100 = tpu.memref_slice %arg3[%dma_start3A_98, %dma_start3A_99] : memref<100000x80xf32, #tpu.memory_space<hbm>> -> memref<100000x80xf32, #tpu.memory_space<hbm>>
      tpu.enqueue_indirect_dma source(%dma_start3A_100 : memref<100000x80xf32, #tpu.memory_space<hbm>>) target(%dma_start3A_94 : memref<104x80xf32, #tpu.memory_space<vmem>>) offsets(%dma_start3A_97 : memref<104xi32, #tpu.memory_space<vmem>>) semaphore(%arg13 : memref<!tpu.dma_semaphore, #tpu.memory_space<semaphore_mem>>)
      %dma_start3A_101 = arith.constant 104 : i32
      %dma_start3A_102 = arith.constant 0 : i32
      %dma_start3A_103 = tpu.memref_slice %arg9[%dma_start3A_101, %dma_start3A_102] : memref<200x80xf32, #tpu.memory_space<vmem>> -> memref<96x80xf32, #tpu.memory_space<vmem>>
      %dma_start3A_104 = arith.constant 104 : i32
      %dma_start3A_105 = tpu.memref_slice %arg6[%min3A_91, %dma_start3A_104] : memref<32x200xi32, #tpu.memory_space<vmem>> -> memref<1x96xi32, #tpu.memory_space<vmem>>
      %dma_start3A_106 = tpu.memref_squeeze %dma_start3A_105 : memref<1x96xi32, #tpu.memory_space<vmem>> -> memref<96xi32, #tpu.memory_space<vmem>>
      %dma_start3A_107 = arith.constant 0 : i32
      %dma_start3A_108 = arith.constant 0 : i32
      %dma_start3A_109 = tpu.memref_slice %arg3[%dma_start3A_107, %dma_start3A_108] : memref<100000x80xf32, #tpu.memory_space<hbm>> -> memref<100000x80xf32, #tpu.memory_space<hbm>>
      tpu.enqueue_indirect_dma source(%dma_start3A_109 : memref<100000x80xf32, #tpu.memory_space<hbm>>) target(%dma_start3A_103 : memref<96x80xf32, #tpu.memory_space<vmem>>) offsets(%dma_start3A_106 : memref<96xi32, #tpu.memory_space<vmem>>) semaphore(%arg13 : memref<!tpu.dma_semaphore, #tpu.memory_space<semaphore_mem>>)
      %dma_start3A_110 = arith.constant 0 : i32
      %dma_start3A_111 = arith.constant 0 : i32
      %dma_start3A_112 = tpu.memref_slice %arg10[%dma_start3A_110, %dma_start3A_111] : memref<200x16xf32, #tpu.memory_space<vmem>> -> memref<104x16xf32, #tpu.memory_space<vmem>>
      %dma_start3A_113 = arith.constant 0 : i32
      %dma_start3A_114 = tpu.memref_slice %arg6[%min3A_91, %dma_start3A_113] : memref<32x200xi32, #tpu.memory_space<vmem>> -> memref<1x104xi32, #tpu.memory_space<vmem>>
      %dma_start3A_115 = tpu.memref_squeeze %dma_start3A_114 : memref<1x104xi32, #tpu.memory_space<vmem>> -> memref<104xi32, #tpu.memory_space<vmem>>
      %dma_start3A_116 = arith.constant 0 : i32
      %dma_start3A_117 = arith.constant 0 : i32
      %dma_start3A_118 = tpu.memref_slice %arg4[%dma_start3A_116, %dma_start3A_117] : memref<100000x16xf32, #tpu.memory_space<hbm>> -> memref<100000x16xf32, #tpu.memory_space<hbm>>
      tpu.enqueue_indirect_dma source(%dma_start3A_118 : memref<100000x16xf32, #tpu.memory_space<hbm>>) target(%dma_start3A_112 : memref<104x16xf32, #tpu.memory_space<vmem>>) offsets(%dma_start3A_115 : memref<104xi32, #tpu.memory_space<vmem>>) semaphore(%arg13 : memref<!tpu.dma_semaphore, #tpu.memory_space<semaphore_mem>>)
      %dma_start3A_119 = arith.constant 104 : i32
      %dma_start3A_120 = arith.constant 0 : i32
      %dma_start3A_121 = tpu.memref_slice %arg10[%dma_start3A_119, %dma_start3A_120] : memref<200x16xf32, #tpu.memory_space<vmem>> -> memref<96x16xf32, #tpu.memory_space<vmem>>
      %dma_start3A_122 = arith.constant 104 : i32
      %dma_start3A_123 = tpu.memref_slice %arg6[%min3A_91, %dma_start3A_122] : memref<32x200xi32, #tpu.memory_space<vmem>> -> memref<1x96xi32, #tpu.memory_space<vmem>>
      %dma_start3A_124 = tpu.memref_squeeze %dma_start3A_123 : memref<1x96xi32, #tpu.memory_space<vmem>> -> memref<96xi32, #tpu.memory_space<vmem>>
      %dma_start3A_125 = arith.constant 0 : i32
      %dma_start3A_126 = arith.constant 0 : i32
      %dma_start3A_127 = tpu.memref_slice %arg4[%dma_start3A_125, %dma_start3A_126] : memref<100000x16xf32, #tpu.memory_space<hbm>> -> memref<100000x16xf32, #tpu.memory_space<hbm>>
      tpu.enqueue_indirect_dma source(%dma_start3A_127 : memref<100000x16xf32, #tpu.memory_space<hbm>>) target(%dma_start3A_121 : memref<96x16xf32, #tpu.memory_space<vmem>>) offsets(%dma_start3A_124 : memref<96xi32, #tpu.memory_space<vmem>>) semaphore(%arg13 : memref<!tpu.dma_semaphore, #tpu.memory_space<semaphore_mem>>)
      %dma_wait3A_128 = arith.constant 0 : i32
      %dma_wait3A_129 = arith.constant 0 : i32
      %dma_wait3A_130 = tpu.memref_slice %arg7[%dma_wait3A_128, %dma_wait3A_129] : memref<200x80xf32, #tpu.memory_space<vmem>> -> memref<104x80xf32, #tpu.memory_space<vmem>>
      %dma_wait3A_131 = arith.constant 0 : i32
      %dma_wait3A_132 = tpu.memref_slice %arg6[%mul3A_88, %dma_wait3A_131] : memref<32x200xi32, #tpu.memory_space<vmem>> -> memref<1x104xi32, #tpu.memory_space<vmem>>
      %dma_wait3A_133 = tpu.memref_squeeze %dma_wait3A_132 : memref<1x104xi32, #tpu.memory_space<vmem>> -> memref<104xi32, #tpu.memory_space<vmem>>
      %dma_wait3A_134 = arith.constant 0 : i32
      %dma_wait3A_135 = arith.constant 0 : i32
      %dma_wait3A_136 = tpu.memref_slice %arg3[%dma_wait3A_134, %dma_wait3A_135] : memref<100000x80xf32, #tpu.memory_space<hbm>> -> memref<100000x80xf32, #tpu.memory_space<hbm>>
      tpu.wait_indirect_dma semaphore(%arg12 : memref<!tpu.dma_semaphore, #tpu.memory_space<semaphore_mem>>) src(%dma_wait3A_136 : memref<100000x80xf32, #tpu.memory_space<hbm>>) dst(%dma_wait3A_130 : memref<104x80xf32, #tpu.memory_space<vmem>>)
      %dma_wait3A_137 = arith.constant 104 : i32
      %dma_wait3A_138 = arith.constant 0 : i32
      %dma_wait3A_139 = tpu.memref_slice %arg7[%dma_wait3A_137, %dma_wait3A_138] : memref<200x80xf32, #tpu.memory_space<vmem>> -> memref<96x80xf32, #tpu.memory_space<vmem>>
      %dma_wait3A_140 = arith.constant 104 : i32
      %dma_wait3A_141 = tpu.memref_slice %arg6[%mul3A_88, %dma_wait3A_140] : memref<32x200xi32, #tpu.memory_space<vmem>> -> memref<1x96xi32, #tpu.memory_space<vmem>>
      %dma_wait3A_142 = tpu.memref_squeeze %dma_wait3A_141 : memref<1x96xi32, #tpu.memory_space<vmem>> -> memref<96xi32, #tpu.memory_space<vmem>>
      %dma_wait3A_143 = arith.constant 0 : i32
      %dma_wait3A_144 = arith.constant 0 : i32
      %dma_wait3A_145 = tpu.memref_slice %arg3[%dma_wait3A_143, %dma_wait3A_144] : memref<100000x80xf32, #tpu.memory_space<hbm>> -> memref<100000x80xf32, #tpu.memory_space<hbm>>
      tpu.wait_indirect_dma semaphore(%arg12 : memref<!tpu.dma_semaphore, #tpu.memory_space<semaphore_mem>>) src(%dma_wait3A_145 : memref<100000x80xf32, #tpu.memory_space<hbm>>) dst(%dma_wait3A_139 : memref<96x80xf32, #tpu.memory_space<vmem>>)
      %dma_wait3A_146 = arith.constant 0 : i32
      %dma_wait3A_147 = arith.constant 0 : i32
      %dma_wait3A_148 = tpu.memref_slice %arg8[%dma_wait3A_146, %dma_wait3A_147] : memref<200x16xf32, #tpu.memory_space<vmem>> -> memref<104x16xf32, #tpu.memory_space<vmem>>
      %dma_wait3A_149 = arith.constant 0 : i32
      %dma_wait3A_150 = tpu.memref_slice %arg6[%mul3A_88, %dma_wait3A_149] : memref<32x200xi32, #tpu.memory_space<vmem>> -> memref<1x104xi32, #tpu.memory_space<vmem>>
      %dma_wait3A_151 = tpu.memref_squeeze %dma_wait3A_150 : memref<1x104xi32, #tpu.memory_space<vmem>> -> memref<104xi32, #tpu.memory_space<vmem>>
      %dma_wait3A_152 = arith.constant 0 : i32
      %dma_wait3A_153 = arith.constant 0 : i32
      %dma_wait3A_154 = tpu.memref_slice %arg4[%dma_wait3A_152, %dma_wait3A_153] : memref<100000x16xf32, #tpu.memory_space<hbm>> -> memref<100000x16xf32, #tpu.memory_space<hbm>>
      tpu.wait_indirect_dma semaphore(%arg12 : memref<!tpu.dma_semaphore, #tpu.memory_space<semaphore_mem>>) src(%dma_wait3A_154 : memref<100000x16xf32, #tpu.memory_space<hbm>>) dst(%dma_wait3A_148 : memref<104x16xf32, #tpu.memory_space<vmem>>)
      %dma_wait3A_155 = arith.constant 104 : i32
      %dma_wait3A_156 = arith.constant 0 : i32
      %dma_wait3A_157 = tpu.memref_slice %arg8[%dma_wait3A_155, %dma_wait3A_156] : memref<200x16xf32, #tpu.memory_space<vmem>> -> memref<96x16xf32, #tpu.memory_space<vmem>>
      %dma_wait3A_158 = arith.constant 104 : i32
      %dma_wait3A_159 = tpu.memref_slice %arg6[%mul3A_88, %dma_wait3A_158] : memref<32x200xi32, #tpu.memory_space<vmem>> -> memref<1x96xi32, #tpu.memory_space<vmem>>
      %dma_wait3A_160 = tpu.memref_squeeze %dma_wait3A_159 : memref<1x96xi32, #tpu.memory_space<vmem>> -> memref<96xi32, #tpu.memory_space<vmem>>
      %dma_wait3A_161 = arith.constant 0 : i32
      %dma_wait3A_162 = arith.constant 0 : i32
      %dma_wait3A_163 = tpu.memref_slice %arg4[%dma_wait3A_161, %dma_wait3A_162] : memref<100000x16xf32, #tpu.memory_space<hbm>> -> memref<100000x16xf32, #tpu.memory_space<hbm>>
      tpu.wait_indirect_dma semaphore(%arg12 : memref<!tpu.dma_semaphore, #tpu.memory_space<semaphore_mem>>) src(%dma_wait3A_163 : memref<100000x16xf32, #tpu.memory_space<hbm>>) dst(%dma_wait3A_157 : memref<96x16xf32, #tpu.memory_space<vmem>>)
      %get3A = arith.constant 0 : i32
      %get3A_164 = arith.index_cast %get3A : i32 to index
      %get3A_165 = arith.constant 0 : index
      %get3A_166 = tpu.vector_load %arg8[%get3A_164, %get3A_165] {strides = array<i32>} : memref<200x16xf32, #tpu.memory_space<vmem>>, vector<1x16xf32>,
      %get3A_167 = vector.shape_cast %get3A_166 : vector<1x16xf32> to vector<16xf32>
      %get3A_168 = arith.constant 1 : i32
      %get3A_169 = arith.index_cast %get3A_168 : i32 to index
      %get3A_170 = arith.constant 0 : index
      %get3A_171 = tpu.vector_load %arg8[%get3A_169, %get3A_170] {strides = array<i32>} : memref<200x16xf32, #tpu.memory_space<vmem>>, vector<1x16xf32>,
      %get3A_172 = vector.shape_cast %get3A_171 : vector<1x16xf32> to vector<16xf32>
      %get3A_173 = arith.constant 2 : i32
      %get3A_174 = arith.index_cast %get3A_173 : i32 to index
      %get3A_175 = arith.constant 0 : index
      %get3A_176 = tpu.vector_load %arg8[%get3A_174, %get3A_175] {strides = array<i32>} : memref<200x16xf32, #tpu.memory_space<vmem>>, vector<1x16xf32>,
      %get3A_177 = vector.shape_cast %get3A_176 : vector<1x16xf32> to vector<16xf32>
      %get3A_178 = arith.constant 3 : i32
      %get3A_179 = arith.index_cast %get3A_178 : i32 to index
      %get3A_180 = arith.constant 0 : index
      %get3A_181 = tpu.vector_load %arg8[%get3A_179, %get3A_180] {strides = array<i32>} : memref<200x16xf32, #tpu.memory_space<vmem>>, vector<1x16xf32>,
      %get3A_182 = vector.shape_cast %get3A_181 : vector<1x16xf32> to vector<16xf32>
      %get3A_183 = arith.constant 4 : i32
      %get3A_184 = arith.index_cast %get3A_183 : i32 to index
      %get3A_185 = arith.constant 0 : index
      %get3A_186 = tpu.vector_load %arg8[%get3A_184, %get3A_185] {strides = array<i32>} : memref<200x16xf32, #tpu.memory_space<vmem>>, vector<1x16xf32>,
      %get3A_187 = vector.shape_cast %get3A_186 : vector<1x16xf32> to vector<16xf32>
      %get3A_188 = arith.constant 2 : i32
      %get3A_189 = arith.index_cast %get3A_188 : i32 to index
      %get3A_190 = arith.constant 0 : index
      %get3A_191 = tpu.vector_load %arg7[%get3A_189, %get3A_190] {strides = array<i32>} : memref<200x80xf32, #tpu.memory_space<vmem>>, vector<1x16xf32>,
      %get3A_192 = vector.shape_cast %get3A_191 : vector<1x16xf32> to vector<16xf32>
      %mul3A_193 = arith.mulf %get3A_192, %get3A_167 : vector<16xf32>
      %get3A_194 = arith.constant 2 : i32
      %get3A_195 = arith.index_cast %get3A_194 : i32 to index
      %get3A_196 = arith.constant 16 : index
      %get3A_197 = tpu.vector_load %arg7[%get3A_195, %get3A_196] {strides = array<i32>} : memref<200x80xf32, #tpu.memory_space<vmem>>, vector<1x16xf32>,
      %get3A_198 = vector.shape_cast %get3A_197 : vector<1x16xf32> to vector<16xf32>
      %mul3A_199 = arith.mulf %get3A_198, %get3A_172 : vector<16xf32>
      %max3A = arith.maximumf %mul3A_193, %mul3A_199 : vector<16xf32>
      %get3A_200 = arith.constant 2 : i32
      %get3A_201 = arith.index_cast %get3A_200 : i32 to index
      %get3A_202 = arith.constant 32 : index
      %get3A_203 = tpu.vector_load %arg7[%get3A_201, %get3A_202] {strides = array<i32>} : memref<200x80xf32, #tpu.memory_space<vmem>>, vector<1x16xf32>,
      %get3A_204 = vector.shape_cast %get3A_203 : vector<1x16xf32> to vector<16xf32>
      %mul3A_205 = arith.mulf %get3A_204, %get3A_177 : vector<16xf32>
      %max3A_206 = arith.maximumf %max3A, %mul3A_205 : vector<16xf32>
      %get3A_207 = arith.constant 2 : i32
      %get3A_208 = arith.index_cast %get3A_207 : i32 to index
      %get3A_209 = arith.constant 48 : index
      %get3A_210 = tpu.vector_load %arg7[%get3A_208, %get3A_209] {strides = array<i32>} : memref<200x80xf32, #tpu.memory_space<vmem>>, vector<1x16xf32>,
      %get3A_211 = vector.shape_cast %get3A_210 : vector<1x16xf32> to vector<16xf32>
      %mul3A_212 = arith.mulf %get3A_211, %get3A_182 : vector<16xf32>
      %max3A_213 = arith.maximumf %max3A_206, %mul3A_212 : vector<16xf32>
      %get3A_214 = arith.constant 2 : i32
      %get3A_215 = arith.index_cast %get3A_214 : i32 to index
      %get3A_216 = arith.constant 64 : index
      %get3A_217 = tpu.vector_load %arg7[%get3A_215, %get3A_216] {strides = array<i32>} : memref<200x80xf32, #tpu.memory_space<vmem>>, vector<1x16xf32>,
      %get3A_218 = vector.shape_cast %get3A_217 : vector<1x16xf32> to vector<16xf32>
      %mul3A_219 = arith.mulf %get3A_218, %get3A_187 : vector<16xf32>
      %max3A_220 = arith.maximumf %max3A_213, %mul3A_219 : vector<16xf32>
      %get3A_221 = arith.constant 41 : i32
      %get3A_222 = arith.index_cast %get3A_221 : i32 to index
      %get3A_223 = arith.constant 16 : index
      %get3A_224 = tpu.vector_load %arg7[%get3A_222, %get3A_223] {strides = array<i32>} : memref<200x80xf32, #tpu.memory_space<vmem>>, vector<1x16xf32>,
      %get3A_225 = vector.shape_cast %get3A_224 : vector<1x16xf32> to vector<16xf32>
      %mul3A_226 = arith.mulf %get3A_225, %get3A_172 : vector<16xf32>
      %get3A_227 = arith.constant 41 : i32
      %get3A_228 = arith.index_cast %get3A_227 : i32 to index
      %get3A_229 = arith.constant 32 : index
      %get3A_230 = tpu.vector_load %arg7[%get3A_228, %get3A_229] {strides = array<i32>} : memref<200x80xf32, #tpu.memory_space<vmem>>, vector<1x16xf32>,
      %get3A_231 = vector.shape_cast %get3A_230 : vector<1x16xf32> to vector<16xf32>
      %mul3A_232 = arith.mulf %get3A_231, %get3A_177 : vector<16xf32>
      %max3A_233 = arith.maximumf %mul3A_226, %mul3A_232 : vector<16xf32>
      %get3A_234 = arith.constant 41 : i32
      %get3A_235 = arith.index_cast %get3A_234 : i32 to index
      %get3A_236 = arith.constant 48 : index
      %get3A_237 = tpu.vector_load %arg7[%get3A_235, %get3A_236] {strides = array<i32>} : memref<200x80xf32, #tpu.memory_space<vmem>>, vector<1x16xf32>,
      %get3A_238 = vector.shape_cast %get3A_237 : vector<1x16xf32> to vector<16xf32>
      %mul3A_239 = arith.mulf %get3A_238, %get3A_182 : vector<16xf32>
      %max3A_240 = arith.maximumf %max3A_233, %mul3A_239 : vector<16xf32>
      %get3A_241 = arith.constant 41 : i32
      %get3A_242 = arith.index_cast %get3A_241 : i32 to index
      %get3A_243 = arith.constant 64 : index
      %get3A_244 = tpu.vector_load %arg7[%get3A_242, %get3A_243] {strides = array<i32>} : memref<200x80xf32, #tpu.memory_space<vmem>>, vector<1x16xf32>,
      %get3A_245 = vector.shape_cast %get3A_244 : vector<1x16xf32> to vector<16xf32>
      %mul3A_246 = arith.mulf %get3A_245, %get3A_187 : vector<16xf32>
      %max3A_247 = arith.maximumf %max3A_240, %mul3A_246 : vector<16xf32>
      %get3A_248 = arith.constant 80 : i32
      %get3A_249 = arith.index_cast %get3A_248 : i32 to index
      %get3A_250 = arith.constant 32 : index
      %get3A_251 = tpu.vector_load %arg7[%get3A_249, %get3A_250] {strides = array<i32>} : memref<200x80xf32, #tpu.memory_space<vmem>>, vector<1x16xf32>,
      %get3A_252 = vector.shape_cast %get3A_251 : vector<1x16xf32> to vector<16xf32>
      %mul3A_253 = arith.mulf %get3A_252, %get3A_177 : vector<16xf32>
      %get3A_254 = arith.constant 80 : i32
      %get3A_255 = arith.index_cast %get3A_254 : i32 to index
      %get3A_256 = arith.constant 48 : index
      %get3A_257 = tpu.vector_load %arg7[%get3A_255, %get3A_256] {strides = array<i32>} : memref<200x80xf32, #tpu.memory_space<vmem>>, vector<1x16xf32>,
      %get3A_258 = vector.shape_cast %get3A_257 : vector<1x16xf32> to vector<16xf32>
      %mul3A_259 = arith.mulf %get3A_258, %get3A_182 : vector<16xf32>
      %max3A_260 = arith.maximumf %mul3A_253, %mul3A_259 : vector<16xf32>
      %get3A_261 = arith.constant 80 : i32
      %get3A_262 = arith.index_cast %get3A_261 : i32 to index
      %get3A_263 = arith.constant 64 : index
      %get3A_264 = tpu.vector_load %arg7[%get3A_262, %get3A_263] {strides = array<i32>} : memref<200x80xf32, #tpu.memory_space<vmem>>, vector<1x16xf32>,
      %get3A_265 = vector.shape_cast %get3A_264 : vector<1x16xf32> to vector<16xf32>
      %mul3A_266 = arith.mulf %get3A_265, %get3A_187 : vector<16xf32>
      %max3A_267 = arith.maximumf %max3A_260, %mul3A_266 : vector<16xf32>
      %get3A_268 = arith.constant 119 : i32
      %get3A_269 = arith.index_cast %get3A_268 : i32 to index
      %get3A_270 = arith.constant 48 : index
      %get3A_271 = tpu.vector_load %arg7[%get3A_269, %get3A_270] {strides = array<i32>} : memref<200x80xf32, #tpu.memory_space<vmem>>, vector<1x16xf32>,
      %get3A_272 = vector.shape_cast %get3A_271 : vector<1x16xf32> to vector<16xf32>
      %mul3A_273 = arith.mulf %get3A_272, %get3A_182 : vector<16xf32>
      %get3A_274 = arith.constant 119 : i32
      %get3A_275 = arith.index_cast %get3A_274 : i32 to index
      %get3A_276 = arith.constant 64 : index
      %get3A_277 = tpu.vector_load %arg7[%get3A_275, %get3A_276] {strides = array<i32>} : memref<200x80xf32, #tpu.memory_space<vmem>>, vector<1x16xf32>,
      %get3A_278 = vector.shape_cast %get3A_277 : vector<1x16xf32> to vector<16xf32>
      %mul3A_279 = arith.mulf %get3A_278, %get3A_187 : vector<16xf32>
      %max3A_280 = arith.maximumf %mul3A_273, %mul3A_279 : vector<16xf32>
      %get3A_281 = arith.constant 158 : i32
      %get3A_282 = arith.index_cast %get3A_281 : i32 to index
      %get3A_283 = arith.constant 64 : index
      %get3A_284 = tpu.vector_load %arg7[%get3A_282, %get3A_283] {strides = array<i32>} : memref<200x80xf32, #tpu.memory_space<vmem>>, vector<1x16xf32>,
      %get3A_285 = vector.shape_cast %get3A_284 : vector<1x16xf32> to vector<16xf32>
      %mul3A_286 = arith.mulf %get3A_285, %get3A_187 : vector<16xf32>
      %scan3A_287 = arith.constant 1 : i32
      %scan3A_288 = arith.constant 38 : i32
      %scan3A_289 = arith.addi %scan3A_287, %scan3A_288 : i32
      %scan3A_290 = arith.constant 1 : i32
      %scan3A_291 = scf.for %scan3A_781 = %scan3A_287 to %scan3A_289 step %scan3A_290 iter_args(%scan3A_782 = %max3A_220) -> (vector<16xf32>)  : i32 {
        %mul3A_783 = arith.constant 5 : i32
        %mul3A_784 = arith.muli %mul3A_783, %scan3A_781 : i32
        %add3A_785 = arith.constant 0 : i32
        %add3A_786 = arith.addi %mul3A_784, %add3A_785 : i32
        %get3A_787 = arith.index_cast %add3A_786 : i32 to index
        %get3A_788 = arith.constant 0 : index
        %get3A_789 = tpu.vector_load %arg8[%get3A_787, %get3A_788] {strides = array<i32>} : memref<200x16xf32, #tpu.memory_space<vmem>>, vector<1x16xf32>,
        %get3A_790 = vector.shape_cast %get3A_789 : vector<1x16xf32> to vector<16xf32>
        %mul3A_791 = arith.constant 5 : i32
        %mul3A_792 = arith.muli %mul3A_791, %scan3A_781 : i32
        %add3A_793 = arith.constant 1 : i32
        %add3A_794 = arith.addi %mul3A_792, %add3A_793 : i32
        %get3A_795 = arith.index_cast %add3A_794 : i32 to index
        %get3A_796 = arith.constant 0 : index
        %get3A_797 = tpu.vector_load %arg8[%get3A_795, %get3A_796] {strides = array<i32>} : memref<200x16xf32, #tpu.memory_space<vmem>>, vector<1x16xf32>,
        %get3A_798 = vector.shape_cast %get3A_797 : vector<1x16xf32> to vector<16xf32>
        %mul3A_799 = arith.constant 5 : i32
        %mul3A_800 = arith.muli %mul3A_799, %scan3A_781 : i32
        %add3A_801 = arith.constant 2 : i32
        %add3A_802 = arith.addi %mul3A_800, %add3A_801 : i32
        %get3A_803 = arith.index_cast %add3A_802 : i32 to index
        %get3A_804 = arith.constant 0 : index
        %get3A_805 = tpu.vector_load %arg8[%get3A_803, %get3A_804] {strides = array<i32>} : memref<200x16xf32, #tpu.memory_space<vmem>>, vector<1x16xf32>,
        %get3A_806 = vector.shape_cast %get3A_805 : vector<1x16xf32> to vector<16xf32>
        %mul3A_807 = arith.constant 5 : i32
        %mul3A_808 = arith.muli %mul3A_807, %scan3A_781 : i32
        %add3A_809 = arith.constant 3 : i32
        %add3A_810 = arith.addi %mul3A_808, %add3A_809 : i32
        %get3A_811 = arith.index_cast %add3A_810 : i32 to index
        %get3A_812 = arith.constant 0 : index
        %get3A_813 = tpu.vector_load %arg8[%get3A_811, %get3A_812] {strides = array<i32>} : memref<200x16xf32, #tpu.memory_space<vmem>>, vector<1x16xf32>,
        %get3A_814 = vector.shape_cast %get3A_813 : vector<1x16xf32> to vector<16xf32>
        %mul3A_815 = arith.constant 5 : i32
        %mul3A_816 = arith.muli %mul3A_815, %scan3A_781 : i32
        %add3A_817 = arith.constant 4 : i32
        %add3A_818 = arith.addi %mul3A_816, %add3A_817 : i32
        %get3A_819 = arith.index_cast %add3A_818 : i32 to index
        %get3A_820 = arith.constant 0 : index
        %get3A_821 = tpu.vector_load %arg8[%get3A_819, %get3A_820] {strides = array<i32>} : memref<200x16xf32, #tpu.memory_space<vmem>>, vector<1x16xf32>,
        %get3A_822 = vector.shape_cast %get3A_821 : vector<1x16xf32> to vector<16xf32>
        %add3A_823 = arith.constant 0 : i32
        %add3A_824 = arith.addi %scan3A_781, %add3A_823 : i32
        %add3A_825 = arith.constant 2 : i32
        %add3A_826 = arith.addi %add3A_824, %add3A_825 : i32
        %get3A_827 = arith.index_cast %add3A_826 : i32 to index
        %get3A_828 = arith.constant 0 : index
        %get3A_829 = tpu.vector_load %arg7[%get3A_827, %get3A_828] {strides = array<i32>} : memref<200x80xf32, #tpu.memory_space<vmem>>, vector<1x16xf32>,
        %get3A_830 = vector.shape_cast %get3A_829 : vector<1x16xf32> to vector<16xf32>
        %mul3A_831 = arith.mulf %get3A_830, %get3A_790 : vector<16xf32>
        %get3A_832 = arith.index_cast %add3A_826 : i32 to index
        %get3A_833 = arith.constant 16 : index
        %get3A_834 = tpu.vector_load %arg7[%get3A_832, %get3A_833] {strides = array<i32>} : memref<200x80xf32, #tpu.memory_space<vmem>>, vector<1x16xf32>,
        %get3A_835 = vector.shape_cast %get3A_834 : vector<1x16xf32> to vector<16xf32>
        %mul3A_836 = arith.mulf %get3A_835, %get3A_798 : vector<16xf32>
        %max3A_837 = arith.maximumf %mul3A_831, %mul3A_836 : vector<16xf32>
        %get3A_838 = arith.index_cast %add3A_826 : i32 to index
        %get3A_839 = arith.constant 32 : index
        %get3A_840 = tpu.vector_load %arg7[%get3A_838, %get3A_839] {strides = array<i32>} : memref<200x80xf32, #tpu.memory_space<vmem>>, vector<1x16xf32>,
        %get3A_841 = vector.shape_cast %get3A_840 : vector<1x16xf32> to vector<16xf32>
        %mul3A_842 = arith.mulf %get3A_841, %get3A_806 : vector<16xf32>
        %max3A_843 = arith.maximumf %max3A_837, %mul3A_842 : vector<16xf32>
        %get3A_844 = arith.index_cast %add3A_826 : i32 to index
        %get3A_845 = arith.constant 48 : index
        %get3A_846 = tpu.vector_load %arg7[%get3A_844, %get3A_845] {strides = array<i32>} : memref<200x80xf32, #tpu.memory_space<vmem>>, vector<1x16xf32>,
        %get3A_847 = vector.shape_cast %get3A_846 : vector<1x16xf32> to vector<16xf32>
        %mul3A_848 = arith.mulf %get3A_847, %get3A_814 : vector<16xf32>
        %max3A_849 = arith.maximumf %max3A_843, %mul3A_848 : vector<16xf32>
        %get3A_850 = arith.index_cast %add3A_826 : i32 to index
        %get3A_851 = arith.constant 64 : index
        %get3A_852 = tpu.vector_load %arg7[%get3A_850, %get3A_851] {strides = array<i32>} : memref<200x80xf32, #tpu.memory_space<vmem>>, vector<1x16xf32>,
        %get3A_853 = vector.shape_cast %get3A_852 : vector<1x16xf32> to vector<16xf32>
        %mul3A_854 = arith.mulf %get3A_853, %get3A_822 : vector<16xf32>
        %max3A_855 = arith.maximumf %max3A_849, %mul3A_854 : vector<16xf32>
        %add3A_856 = arith.addf %scan3A_782, %max3A_855 : vector<16xf32>
        %add3A_857 = arith.constant 39 : i32
        %add3A_858 = arith.addi %scan3A_781, %add3A_857 : i32
        %add3A_859 = arith.constant 2 : i32
        %add3A_860 = arith.addi %add3A_858, %add3A_859 : i32
        %get3A_861 = arith.index_cast %add3A_860 : i32 to index
        %get3A_862 = arith.constant 0 : index
        %get3A_863 = tpu.vector_load %arg7[%get3A_861, %get3A_862] {strides = array<i32>} : memref<200x80xf32, #tpu.memory_space<vmem>>, vector<1x16xf32>,
        %get3A_864 = vector.shape_cast %get3A_863 : vector<1x16xf32> to vector<16xf32>
        %mul3A_865 = arith.mulf %get3A_864, %get3A_790 : vector<16xf32>
        %get3A_866 = arith.index_cast %add3A_860 : i32 to index
        %get3A_867 = arith.constant 16 : index
        %get3A_868 = tpu.vector_load %arg7[%get3A_866, %get3A_867] {strides = array<i32>} : memref<200x80xf32, #tpu.memory_space<vmem>>, vector<1x16xf32>,
        %get3A_869 = vector.shape_cast %get3A_868 : vector<1x16xf32> to vector<16xf32>
        %mul3A_870 = arith.mulf %get3A_869, %get3A_798 : vector<16xf32>
        %max3A_871 = arith.maximumf %mul3A_865, %mul3A_870 : vector<16xf32>
        %get3A_872 = arith.index_cast %add3A_860 : i32 to index
        %get3A_873 = arith.constant 32 : index
        %get3A_874 = tpu.vector_load %arg7[%get3A_872, %get3A_873] {strides = array<i32>} : memref<200x80xf32, #tpu.memory_space<vmem>>, vector<1x16xf32>,
        %get3A_875 = vector.shape_cast %get3A_874 : vector<1x16xf32> to vector<16xf32>
        %mul3A_876 = arith.mulf %get3A_875, %get3A_806 : vector<16xf32>
        %max3A_877 = arith.maximumf %max3A_871, %mul3A_876 : vector<16xf32>
        %get3A_878 = arith.index_cast %add3A_860 : i32 to index
        %get3A_879 = arith.constant 48 : index
        %get3A_880 = tpu.vector_load %arg7[%get3A_878, %get3A_879] {strides = array<i32>} : memref<200x80xf32, #tpu.memory_space<vmem>>, vector<1x16xf32>,
        %get3A_881 = vector.shape_cast %get3A_880 : vector<1x16xf32> to vector<16xf32>
        %mul3A_882 = arith.mulf %get3A_881, %get3A_814 : vector<16xf32>
        %max3A_883 = arith.maximumf %max3A_877, %mul3A_882 : vector<16xf32>
        %get3A_884 = arith.index_cast %add3A_860 : i32 to index
        %get3A_885 = arith.constant 64 : index
        %get3A_886 = tpu.vector_load %arg7[%get3A_884, %get3A_885] {strides = array<i32>} : memref<200x80xf32, #tpu.memory_space<vmem>>, vector<1x16xf32>,
        %get3A_887 = vector.shape_cast %get3A_886 : vector<1x16xf32> to vector<16xf32>
        %mul3A_888 = arith.mulf %get3A_887, %get3A_822 : vector<16xf32>
        %max3A_889 = arith.maximumf %max3A_883, %mul3A_888 : vector<16xf32>
        %add3A_890 = arith.addf %add3A_856, %max3A_889 : vector<16xf32>
        %add3A_891 = arith.constant 78 : i32
        %add3A_892 = arith.addi %scan3A_781, %add3A_891 : i32
        %add3A_893 = arith.constant 2 : i32
        %add3A_894 = arith.addi %add3A_892, %add3A_893 : i32
        %get3A_895 = arith.index_cast %add3A_894 : i32 to index
        %get3A_896 = arith.constant 0 : index
        %get3A_897 = tpu.vector_load %arg7[%get3A_895, %get3A_896] {strides = array<i32>} : memref<200x80xf32, #tpu.memory_space<vmem>>, vector<1x16xf32>,
        %get3A_898 = vector.shape_cast %get3A_897 : vector<1x16xf32> to vector<16xf32>
        %mul3A_899 = arith.mulf %get3A_898, %get3A_790 : vector<16xf32>
        %get3A_900 = arith.index_cast %add3A_894 : i32 to index
        %get3A_901 = arith.constant 16 : index
        %get3A_902 = tpu.vector_load %arg7[%get3A_900, %get3A_901] {strides = array<i32>} : memref<200x80xf32, #tpu.memory_space<vmem>>, vector<1x16xf32>,
        %get3A_903 = vector.shape_cast %get3A_902 : vector<1x16xf32> to vector<16xf32>
        %mul3A_904 = arith.mulf %get3A_903, %get3A_798 : vector<16xf32>
        %max3A_905 = arith.maximumf %mul3A_899, %mul3A_904 : vector<16xf32>
        %get3A_906 = arith.index_cast %add3A_894 : i32 to index
        %get3A_907 = arith.constant 32 : index
        %get3A_908 = tpu.vector_load %arg7[%get3A_906, %get3A_907] {strides = array<i32>} : memref<200x80xf32, #tpu.memory_space<vmem>>, vector<1x16xf32>,
        %get3A_909 = vector.shape_cast %get3A_908 : vector<1x16xf32> to vector<16xf32>
        %mul3A_910 = arith.mulf %get3A_909, %get3A_806 : vector<16xf32>
        %max3A_911 = arith.maximumf %max3A_905, %mul3A_910 : vector<16xf32>
        %get3A_912 = arith.index_cast %add3A_894 : i32 to index
        %get3A_913 = arith.constant 48 : index
        %get3A_914 = tpu.vector_load %arg7[%get3A_912, %get3A_913] {strides = array<i32>} : memref<200x80xf32, #tpu.memory_space<vmem>>, vector<1x16xf32>,
        %get3A_915 = vector.shape_cast %get3A_914 : vector<1x16xf32> to vector<16xf32>
        %mul3A_916 = arith.mulf %get3A_915, %get3A_814 : vector<16xf32>
        %max3A_917 = arith.maximumf %max3A_911, %mul3A_916 : vector<16xf32>
        %get3A_918 = arith.index_cast %add3A_894 : i32 to index
        %get3A_919 = arith.constant 64 : index
        %get3A_920 = tpu.vector_load %arg7[%get3A_918, %get3A_919] {strides = array<i32>} : memref<200x80xf32, #tpu.memory_space<vmem>>, vector<1x16xf32>,
        %get3A_921 = vector.shape_cast %get3A_920 : vector<1x16xf32> to vector<16xf32>
        %mul3A_922 = arith.mulf %get3A_921, %get3A_822 : vector<16xf32>
        %max3A_923 = arith.maximumf %max3A_917, %mul3A_922 : vector<16xf32>
        %add3A_924 = arith.addf %add3A_890, %max3A_923 : vector<16xf32>
        %add3A_925 = arith.constant 117 : i32
        %add3A_926 = arith.addi %scan3A_781, %add3A_925 : i32
        %add3A_927 = arith.constant 2 : i32
        %add3A_928 = arith.addi %add3A_926, %add3A_927 : i32
        %get3A_929 = arith.index_cast %add3A_928 : i32 to index
        %get3A_930 = arith.constant 0 : index
        %get3A_931 = tpu.vector_load %arg7[%get3A_929, %get3A_930] {strides = array<i32>} : memref<200x80xf32, #tpu.memory_space<vmem>>, vector<1x16xf32>,
        %get3A_932 = vector.shape_cast %get3A_931 : vector<1x16xf32> to vector<16xf32>
        %mul3A_933 = arith.mulf %get3A_932, %get3A_790 : vector<16xf32>
        %get3A_934 = arith.index_cast %add3A_928 : i32 to index
        %get3A_935 = arith.constant 16 : index
        %get3A_936 = tpu.vector_load %arg7[%get3A_934, %get3A_935] {strides = array<i32>} : memref<200x80xf32, #tpu.memory_space<vmem>>, vector<1x16xf32>,
        %get3A_937 = vector.shape_cast %get3A_936 : vector<1x16xf32> to vector<16xf32>
        %mul3A_938 = arith.mulf %get3A_937, %get3A_798 : vector<16xf32>
        %max3A_939 = arith.maximumf %mul3A_933, %mul3A_938 : vector<16xf32>
        %get3A_940 = arith.index_cast %add3A_928 : i32 to index
        %get3A_941 = arith.constant 32 : index
        %get3A_942 = tpu.vector_load %arg7[%get3A_940, %get3A_941] {strides = array<i32>} : memref<200x80xf32, #tpu.memory_space<vmem>>, vector<1x16xf32>,
        %get3A_943 = vector.shape_cast %get3A_942 : vector<1x16xf32> to vector<16xf32>
        %mul3A_944 = arith.mulf %get3A_943, %get3A_806 : vector<16xf32>
        %max3A_945 = arith.maximumf %max3A_939, %mul3A_944 : vector<16xf32>
        %get3A_946 = arith.index_cast %add3A_928 : i32 to index
        %get3A_947 = arith.constant 48 : index
        %get3A_948 = tpu.vector_load %arg7[%get3A_946, %get3A_947] {strides = array<i32>} : memref<200x80xf32, #tpu.memory_space<vmem>>, vector<1x16xf32>,
        %get3A_949 = vector.shape_cast %get3A_948 : vector<1x16xf32> to vector<16xf32>
        %mul3A_950 = arith.mulf %get3A_949, %get3A_814 : vector<16xf32>
        %max3A_951 = arith.maximumf %max3A_945, %mul3A_950 : vector<16xf32>
        %get3A_952 = arith.index_cast %add3A_928 : i32 to index
        %get3A_953 = arith.constant 64 : index
        %get3A_954 = tpu.vector_load %arg7[%get3A_952, %get3A_953] {strides = array<i32>} : memref<200x80xf32, #tpu.memory_space<vmem>>, vector<1x16xf32>,
        %get3A_955 = vector.shape_cast %get3A_954 : vector<1x16xf32> to vector<16xf32>
        %mul3A_956 = arith.mulf %get3A_955, %get3A_822 : vector<16xf32>
        %max3A_957 = arith.maximumf %max3A_951, %mul3A_956 : vector<16xf32>
        %add3A_958 = arith.addf %add3A_924, %max3A_957 : vector<16xf32>
        %add3A_959 = arith.constant 156 : i32
        %add3A_960 = arith.addi %scan3A_781, %add3A_959 : i32
        %add3A_961 = arith.constant 2 : i32
        %add3A_962 = arith.addi %add3A_960, %add3A_961 : i32
        %get3A_963 = arith.index_cast %add3A_962 : i32 to index
        %get3A_964 = arith.constant 0 : index
        %get3A_965 = tpu.vector_load %arg7[%get3A_963, %get3A_964] {strides = array<i32>} : memref<200x80xf32, #tpu.memory_space<vmem>>, vector<1x16xf32>,
        %get3A_966 = vector.shape_cast %get3A_965 : vector<1x16xf32> to vector<16xf32>
        %mul3A_967 = arith.mulf %get3A_966, %get3A_790 : vector<16xf32>
        %get3A_968 = arith.index_cast %add3A_962 : i32 to index
        %get3A_969 = arith.constant 16 : index
        %get3A_970 = tpu.vector_load %arg7[%get3A_968, %get3A_969] {strides = array<i32>} : memref<200x80xf32, #tpu.memory_space<vmem>>, vector<1x16xf32>,
        %get3A_971 = vector.shape_cast %get3A_970 : vector<1x16xf32> to vector<16xf32>
        %mul3A_972 = arith.mulf %get3A_971, %get3A_798 : vector<16xf32>
        %max3A_973 = arith.maximumf %mul3A_967, %mul3A_972 : vector<16xf32>
        %get3A_974 = arith.index_cast %add3A_962 : i32 to index
        %get3A_975 = arith.constant 32 : index
        %get3A_976 = tpu.vector_load %arg7[%get3A_974, %get3A_975] {strides = array<i32>} : memref<200x80xf32, #tpu.memory_space<vmem>>, vector<1x16xf32>,
        %get3A_977 = vector.shape_cast %get3A_976 : vector<1x16xf32> to vector<16xf32>
        %mul3A_978 = arith.mulf %get3A_977, %get3A_806 : vector<16xf32>
        %max3A_979 = arith.maximumf %max3A_973, %mul3A_978 : vector<16xf32>
        %get3A_980 = arith.index_cast %add3A_962 : i32 to index
        %get3A_981 = arith.constant 48 : index
        %get3A_982 = tpu.vector_load %arg7[%get3A_980, %get3A_981] {strides = array<i32>} : memref<200x80xf32, #tpu.memory_space<vmem>>, vector<1x16xf32>,
        %get3A_983 = vector.shape_cast %get3A_982 : vector<1x16xf32> to vector<16xf32>
        %mul3A_984 = arith.mulf %get3A_983, %get3A_814 : vector<16xf32>
        %max3A_985 = arith.maximumf %max3A_979, %mul3A_984 : vector<16xf32>
        %get3A_986 = arith.index_cast %add3A_962 : i32 to index
        %get3A_987 = arith.constant 64 : index
        %get3A_988 = tpu.vector_load %arg7[%get3A_986, %get3A_987] {strides = array<i32>} : memref<200x80xf32, #tpu.memory_space<vmem>>, vector<1x16xf32>,
        %get3A_989 = vector.shape_cast %get3A_988 : vector<1x16xf32> to vector<16xf32>
        %mul3A_990 = arith.mulf %get3A_989, %get3A_822 : vector<16xf32>
        %max3A_991 = arith.maximumf %max3A_985, %mul3A_990 : vector<16xf32>
        %add3A_992 = arith.addf %add3A_958, %max3A_991 : vector<16xf32>
        scf.yield %add3A_992 : vector<16xf32>
      }
      %scan3A_292 = arith.constant 38 : i32
      %get3A_293 = arith.constant 195 : i32
      %get3A_294 = arith.index_cast %get3A_293 : i32 to index
      %get3A_295 = arith.constant 0 : index
      %get3A_296 = tpu.vector_load %arg8[%get3A_294, %get3A_295] {strides = array<i32>} : memref<200x16xf32, #tpu.memory_space<vmem>>, vector<1x16xf32>,
      %get3A_297 = vector.shape_cast %get3A_296 : vector<1x16xf32> to vector<16xf32>
      %get3A_298 = arith.constant 196 : i32
      %get3A_299 = arith.index_cast %get3A_298 : i32 to index
      %get3A_300 = arith.constant 0 : index
      %get3A_301 = tpu.vector_load %arg8[%get3A_299, %get3A_300] {strides = array<i32>} : memref<200x16xf32, #tpu.memory_space<vmem>>, vector<1x16xf32>,
      %get3A_302 = vector.shape_cast %get3A_301 : vector<1x16xf32> to vector<16xf32>
      %get3A_303 = arith.constant 197 : i32
      %get3A_304 = arith.index_cast %get3A_303 : i32 to index
      %get3A_305 = arith.constant 0 : index
      %get3A_306 = tpu.vector_load %arg8[%get3A_304, %get3A_305] {strides = array<i32>} : memref<200x16xf32, #tpu.memory_space<vmem>>, vector<1x16xf32>,
      %get3A_307 = vector.shape_cast %get3A_306 : vector<1x16xf32> to vector<16xf32>
      %get3A_308 = arith.constant 198 : i32
      %get3A_309 = arith.index_cast %get3A_308 : i32 to index
      %get3A_310 = arith.constant 0 : index
      %get3A_311 = tpu.vector_load %arg8[%get3A_309, %get3A_310] {strides = array<i32>} : memref<200x16xf32, #tpu.memory_space<vmem>>, vector<1x16xf32>,
      %get3A_312 = vector.shape_cast %get3A_311 : vector<1x16xf32> to vector<16xf32>
      %get3A_313 = arith.constant 199 : i32
      %get3A_314 = arith.index_cast %get3A_313 : i32 to index
      %get3A_315 = arith.constant 0 : index
      %get3A_316 = tpu.vector_load %arg8[%get3A_314, %get3A_315] {strides = array<i32>} : memref<200x16xf32, #tpu.memory_space<vmem>>, vector<1x16xf32>,
      %get3A_317 = vector.shape_cast %get3A_316 : vector<1x16xf32> to vector<16xf32>
      %get3A_318 = arith.constant 41 : i32
      %get3A_319 = arith.index_cast %get3A_318 : i32 to index
      %get3A_320 = arith.constant 0 : index
      %get3A_321 = tpu.vector_load %arg7[%get3A_319, %get3A_320] {strides = array<i32>} : memref<200x80xf32, #tpu.memory_space<vmem>>, vector<1x16xf32>,
      %get3A_322 = vector.shape_cast %get3A_321 : vector<1x16xf32> to vector<16xf32>
      %mul3A_323 = arith.mulf %get3A_322, %get3A_297 : vector<16xf32>
      %max3A_324 = arith.maximumf %max3A_247, %mul3A_323 : vector<16xf32>
      %add3A_325 = arith.addf %scan3A_291, %max3A_324 : vector<16xf32>
      %get3A_326 = arith.constant 80 : i32
      %get3A_327 = arith.index_cast %get3A_326 : i32 to index
      %get3A_328 = arith.constant 0 : index
      %get3A_329 = tpu.vector_load %arg7[%get3A_327, %get3A_328] {strides = array<i32>} : memref<200x80xf32, #tpu.memory_space<vmem>>, vector<1x16xf32>,
      %get3A_330 = vector.shape_cast %get3A_329 : vector<1x16xf32> to vector<16xf32>
      %mul3A_331 = arith.mulf %get3A_330, %get3A_297 : vector<16xf32>
      %max3A_332 = arith.maximumf %max3A_267, %mul3A_331 : vector<16xf32>
      %get3A_333 = arith.constant 80 : i32
      %get3A_334 = arith.index_cast %get3A_333 : i32 to index
      %get3A_335 = arith.constant 16 : index
      %get3A_336 = tpu.vector_load %arg7[%get3A_334, %get3A_335] {strides = array<i32>} : memref<200x80xf32, #tpu.memory_space<vmem>>, vector<1x16xf32>,
      %get3A_337 = vector.shape_cast %get3A_336 : vector<1x16xf32> to vector<16xf32>
      %mul3A_338 = arith.mulf %get3A_337, %get3A_302 : vector<16xf32>
      %max3A_339 = arith.maximumf %max3A_332, %mul3A_338 : vector<16xf32>
      %add3A_340 = arith.addf %add3A_325, %max3A_339 : vector<16xf32>
      %get3A_341 = arith.constant 119 : i32
      %get3A_342 = arith.index_cast %get3A_341 : i32 to index
      %get3A_343 = arith.constant 0 : index
      %get3A_344 = tpu.vector_load %arg7[%get3A_342, %get3A_343] {strides = array<i32>} : memref<200x80xf32, #tpu.memory_space<vmem>>, vector<1x16xf32>,
      %get3A_345 = vector.shape_cast %get3A_344 : vector<1x16xf32> to vector<16xf32>
      %mul3A_346 = arith.mulf %get3A_345, %get3A_297 : vector<16xf32>
      %max3A_347 = arith.maximumf %max3A_280, %mul3A_346 : vector<16xf32>
      %get3A_348 = arith.constant 119 : i32
      %get3A_349 = arith.index_cast %get3A_348 : i32 to index
      %get3A_350 = arith.constant 16 : index
      %get3A_351 = tpu.vector_load %arg7[%get3A_349, %get3A_350] {strides = array<i32>} : memref<200x80xf32, #tpu.memory_space<vmem>>, vector<1x16xf32>,
      %get3A_352 = vector.shape_cast %get3A_351 : vector<1x16xf32> to vector<16xf32>
      %mul3A_353 = arith.mulf %get3A_352, %get3A_302 : vector<16xf32>
      %max3A_354 = arith.maximumf %max3A_347, %mul3A_353 : vector<16xf32>
      %get3A_355 = arith.constant 119 : i32
      %get3A_356 = arith.index_cast %get3A_355 : i32 to index
      %get3A_357 = arith.constant 32 : index
      %get3A_358 = tpu.vector_load %arg7[%get3A_356, %get3A_357] {strides = array<i32>} : memref<200x80xf32, #tpu.memory_space<vmem>>, vector<1x16xf32>,
      %get3A_359 = vector.shape_cast %get3A_358 : vector<1x16xf32> to vector<16xf32>
      %mul3A_360 = arith.mulf %get3A_359, %get3A_307 : vector<16xf32>
      %max3A_361 = arith.maximumf %max3A_354, %mul3A_360 : vector<16xf32>
      %add3A_362 = arith.addf %add3A_340, %max3A_361 : vector<16xf32>
      %get3A_363 = arith.constant 158 : i32
      %get3A_364 = arith.index_cast %get3A_363 : i32 to index
      %get3A_365 = arith.constant 0 : index
      %get3A_366 = tpu.vector_load %arg7[%get3A_364, %get3A_365] {strides = array<i32>} : memref<200x80xf32, #tpu.memory_space<vmem>>, vector<1x16xf32>,
      %get3A_367 = vector.shape_cast %get3A_366 : vector<1x16xf32> to vector<16xf32>
      %mul3A_368 = arith.mulf %get3A_367, %get3A_297 : vector<16xf32>
      %max3A_369 = arith.maximumf %mul3A_286, %mul3A_368 : vector<16xf32>
      %get3A_370 = arith.constant 158 : i32
      %get3A_371 = arith.index_cast %get3A_370 : i32 to index
      %get3A_372 = arith.constant 16 : index
      %get3A_373 = tpu.vector_load %arg7[%get3A_371, %get3A_372] {strides = array<i32>} : memref<200x80xf32, #tpu.memory_space<vmem>>, vector<1x16xf32>,
      %get3A_374 = vector.shape_cast %get3A_373 : vector<1x16xf32> to vector<16xf32>
      %mul3A_375 = arith.mulf %get3A_374, %get3A_302 : vector<16xf32>
      %max3A_376 = arith.maximumf %max3A_369, %mul3A_375 : vector<16xf32>
      %get3A_377 = arith.constant 158 : i32
      %get3A_378 = arith.index_cast %get3A_377 : i32 to index
      %get3A_379 = arith.constant 32 : index
      %get3A_380 = tpu.vector_load %arg7[%get3A_378, %get3A_379] {strides = array<i32>} : memref<200x80xf32, #tpu.memory_space<vmem>>, vector<1x16xf32>,
      %get3A_381 = vector.shape_cast %get3A_380 : vector<1x16xf32> to vector<16xf32>
      %mul3A_382 = arith.mulf %get3A_381, %get3A_307 : vector<16xf32>
      %max3A_383 = arith.maximumf %max3A_376, %mul3A_382 : vector<16xf32>
      %get3A_384 = arith.constant 158 : i32
      %get3A_385 = arith.index_cast %get3A_384 : i32 to index
      %get3A_386 = arith.constant 48 : index
      %get3A_387 = tpu.vector_load %arg7[%get3A_385, %get3A_386] {strides = array<i32>} : memref<200x80xf32, #tpu.memory_space<vmem>>, vector<1x16xf32>,
      %get3A_388 = vector.shape_cast %get3A_387 : vector<1x16xf32> to vector<16xf32>
      %mul3A_389 = arith.mulf %get3A_388, %get3A_312 : vector<16xf32>
      %max3A_390 = arith.maximumf %max3A_383, %mul3A_389 : vector<16xf32>
      %add3A_391 = arith.addf %add3A_362, %max3A_390 : vector<16xf32>
      %get3A_392 = arith.constant 197 : i32
      %get3A_393 = arith.index_cast %get3A_392 : i32 to index
      %get3A_394 = arith.constant 0 : index
      %get3A_395 = tpu.vector_load %arg7[%get3A_393, %get3A_394] {strides = array<i32>} : memref<200x80xf32, #tpu.memory_space<vmem>>, vector<1x16xf32>,
      %get3A_396 = vector.shape_cast %get3A_395 : vector<1x16xf32> to vector<16xf32>
      %mul3A_397 = arith.mulf %get3A_396, %get3A_297 : vector<16xf32>
      %get3A_398 = arith.constant 197 : i32
      %get3A_399 = arith.index_cast %get3A_398 : i32 to index
      %get3A_400 = arith.constant 16 : index
      %get3A_401 = tpu.vector_load %arg7[%get3A_399, %get3A_400] {strides = array<i32>} : memref<200x80xf32, #tpu.memory_space<vmem>>, vector<1x16xf32>,
      %get3A_402 = vector.shape_cast %get3A_401 : vector<1x16xf32> to vector<16xf32>
      %mul3A_403 = arith.mulf %get3A_402, %get3A_302 : vector<16xf32>
      %max3A_404 = arith.maximumf %mul3A_397, %mul3A_403 : vector<16xf32>
      %get3A_405 = arith.constant 197 : i32
      %get3A_406 = arith.index_cast %get3A_405 : i32 to index
      %get3A_407 = arith.constant 32 : index
      %get3A_408 = tpu.vector_load %arg7[%get3A_406, %get3A_407] {strides = array<i32>} : memref<200x80xf32, #tpu.memory_space<vmem>>, vector<1x16xf32>,
      %get3A_409 = vector.shape_cast %get3A_408 : vector<1x16xf32> to vector<16xf32>
      %mul3A_410 = arith.mulf %get3A_409, %get3A_307 : vector<16xf32>
      %max3A_411 = arith.maximumf %max3A_404, %mul3A_410 : vector<16xf32>
      %get3A_412 = arith.constant 197 : i32
      %get3A_413 = arith.index_cast %get3A_412 : i32 to index
      %get3A_414 = arith.constant 48 : index
      %get3A_415 = tpu.vector_load %arg7[%get3A_413, %get3A_414] {strides = array<i32>} : memref<200x80xf32, #tpu.memory_space<vmem>>, vector<1x16xf32>,
      %get3A_416 = vector.shape_cast %get3A_415 : vector<1x16xf32> to vector<16xf32>
      %mul3A_417 = arith.mulf %get3A_416, %get3A_312 : vector<16xf32>
      %max3A_418 = arith.maximumf %max3A_411, %mul3A_417 : vector<16xf32>
      %get3A_419 = arith.constant 197 : i32
      %get3A_420 = arith.index_cast %get3A_419 : i32 to index
      %get3A_421 = arith.constant 64 : index
      %get3A_422 = tpu.vector_load %arg7[%get3A_420, %get3A_421] {strides = array<i32>} : memref<200x80xf32, #tpu.memory_space<vmem>>, vector<1x16xf32>,
      %get3A_423 = vector.shape_cast %get3A_422 : vector<1x16xf32> to vector<16xf32>
      %mul3A_424 = arith.mulf %get3A_423, %get3A_317 : vector<16xf32>
      %max3A_425 = arith.maximumf %max3A_418, %mul3A_424 : vector<16xf32>
      %add3A_426 = arith.addf %add3A_391, %max3A_425 : vector<16xf32>
      %swap3A = arith.index_cast %mul3A_88 : i32 to index
      %swap3A_427 = arith.constant 0 : index
      %swap3A_428 = tpu.vector_load %arg11[%swap3A, %swap3A_427] {strides = array<i32>} : memref<32x16xf32, #tpu.memory_space<vmem>>, vector<1x16xf32>,
      %swap3A_429 = vector.shape_cast %swap3A_428 : vector<1x16xf32> to vector<16xf32>
      %swap3A_430 = vector.shape_cast %add3A_426 : vector<16xf32> to vector<1x16xf32>
      tpu.vector_store %arg11[%swap3A, %swap3A_427], %swap3A_430 {strides = array<i32>} : memref<32x16xf32, #tpu.memory_space<vmem>>, vector<1x16xf32>,
      %add3A_431 = arith.constant 2 : i32
      %add3A_432 = arith.addi %mul3A_88, %add3A_431 : i32
      %min3A_433 = arith.constant 31 : i32
      %min3A_434 = arith.minsi %add3A_432, %min3A_433 : i32
      %dma_start3A_435 = arith.constant 0 : i32
      %dma_start3A_436 = arith.constant 0 : i32
      %dma_start3A_437 = tpu.memref_slice %arg7[%dma_start3A_435, %dma_start3A_436] : memref<200x80xf32, #tpu.memory_space<vmem>> -> memref<104x80xf32, #tpu.memory_space<vmem>>
      %dma_start3A_438 = arith.constant 0 : i32
      %dma_start3A_439 = tpu.memref_slice %arg6[%min3A_434, %dma_start3A_438] : memref<32x200xi32, #tpu.memory_space<vmem>> -> memref<1x104xi32, #tpu.memory_space<vmem>>
      %dma_start3A_440 = tpu.memref_squeeze %dma_start3A_439 : memref<1x104xi32, #tpu.memory_space<vmem>> -> memref<104xi32, #tpu.memory_space<vmem>>
      %dma_start3A_441 = arith.constant 0 : i32
      %dma_start3A_442 = arith.constant 0 : i32
      %dma_start3A_443 = tpu.memref_slice %arg3[%dma_start3A_441, %dma_start3A_442] : memref<100000x80xf32, #tpu.memory_space<hbm>> -> memref<100000x80xf32, #tpu.memory_space<hbm>>
      tpu.enqueue_indirect_dma source(%dma_start3A_443 : memref<100000x80xf32, #tpu.memory_space<hbm>>) target(%dma_start3A_437 : memref<104x80xf32, #tpu.memory_space<vmem>>) offsets(%dma_start3A_440 : memref<104xi32, #tpu.memory_space<vmem>>) semaphore(%arg12 : memref<!tpu.dma_semaphore, #tpu.memory_space<semaphore_mem>>)
      %dma_start3A_444 = arith.constant 104 : i32
      %dma_start3A_445 = arith.constant 0 : i32
      %dma_start3A_446 = tpu.memref_slice %arg7[%dma_start3A_444, %dma_start3A_445] : memref<200x80xf32, #tpu.memory_space<vmem>> -> memref<96x80xf32, #tpu.memory_space<vmem>>
      %dma_start3A_447 = arith.constant 104 : i32
      %dma_start3A_448 = tpu.memref_slice %arg6[%min3A_434, %dma_start3A_447] : memref<32x200xi32, #tpu.memory_space<vmem>> -> memref<1x96xi32, #tpu.memory_space<vmem>>
      %dma_start3A_449 = tpu.memref_squeeze %dma_start3A_448 : memref<1x96xi32, #tpu.memory_space<vmem>> -> memref<96xi32, #tpu.memory_space<vmem>>
      %dma_start3A_450 = arith.constant 0 : i32
      %dma_start3A_451 = arith.constant 0 : i32
      %dma_start3A_452 = tpu.memref_slice %arg3[%dma_start3A_450, %dma_start3A_451] : memref<100000x80xf32, #tpu.memory_space<hbm>> -> memref<100000x80xf32, #tpu.memory_space<hbm>>
      tpu.enqueue_indirect_dma source(%dma_start3A_452 : memref<100000x80xf32, #tpu.memory_space<hbm>>) target(%dma_start3A_446 : memref<96x80xf32, #tpu.memory_space<vmem>>) offsets(%dma_start3A_449 : memref<96xi32, #tpu.memory_space<vmem>>) semaphore(%arg12 : memref<!tpu.dma_semaphore, #tpu.memory_space<semaphore_mem>>)
      %dma_start3A_453 = arith.constant 0 : i32
      %dma_start3A_454 = arith.constant 0 : i32
      %dma_start3A_455 = tpu.memref_slice %arg8[%dma_start3A_453, %dma_start3A_454] : memref<200x16xf32, #tpu.memory_space<vmem>> -> memref<104x16xf32, #tpu.memory_space<vmem>>
      %dma_start3A_456 = arith.constant 0 : i32
      %dma_start3A_457 = tpu.memref_slice %arg6[%min3A_434, %dma_start3A_456] : memref<32x200xi32, #tpu.memory_space<vmem>> -> memref<1x104xi32, #tpu.memory_space<vmem>>
      %dma_start3A_458 = tpu.memref_squeeze %dma_start3A_457 : memref<1x104xi32, #tpu.memory_space<vmem>> -> memref<104xi32, #tpu.memory_space<vmem>>
      %dma_start3A_459 = arith.constant 0 : i32
      %dma_start3A_460 = arith.constant 0 : i32
      %dma_start3A_461 = tpu.memref_slice %arg4[%dma_start3A_459, %dma_start3A_460] : memref<100000x16xf32, #tpu.memory_space<hbm>> -> memref<100000x16xf32, #tpu.memory_space<hbm>>
      tpu.enqueue_indirect_dma source(%dma_start3A_461 : memref<100000x16xf32, #tpu.memory_space<hbm>>) target(%dma_start3A_455 : memref<104x16xf32, #tpu.memory_space<vmem>>) offsets(%dma_start3A_458 : memref<104xi32, #tpu.memory_space<vmem>>) semaphore(%arg12 : memref<!tpu.dma_semaphore, #tpu.memory_space<semaphore_mem>>)
      %dma_start3A_462 = arith.constant 104 : i32
      %dma_start3A_463 = arith.constant 0 : i32
      %dma_start3A_464 = tpu.memref_slice %arg8[%dma_start3A_462, %dma_start3A_463] : memref<200x16xf32, #tpu.memory_space<vmem>> -> memref<96x16xf32, #tpu.memory_space<vmem>>
      %dma_start3A_465 = arith.constant 104 : i32
      %dma_start3A_466 = tpu.memref_slice %arg6[%min3A_434, %dma_start3A_465] : memref<32x200xi32, #tpu.memory_space<vmem>> -> memref<1x96xi32, #tpu.memory_space<vmem>>
      %dma_start3A_467 = tpu.memref_squeeze %dma_start3A_466 : memref<1x96xi32, #tpu.memory_space<vmem>> -> memref<96xi32, #tpu.memory_space<vmem>>
      %dma_start3A_468 = arith.constant 0 : i32
      %dma_start3A_469 = arith.constant 0 : i32
      %dma_start3A_470 = tpu.memref_slice %arg4[%dma_start3A_468, %dma_start3A_469] : memref<100000x16xf32, #tpu.memory_space<hbm>> -> memref<100000x16xf32, #tpu.memory_space<hbm>>
      tpu.enqueue_indirect_dma source(%dma_start3A_470 : memref<100000x16xf32, #tpu.memory_space<hbm>>) target(%dma_start3A_464 : memref<96x16xf32, #tpu.memory_space<vmem>>) offsets(%dma_start3A_467 : memref<96xi32, #tpu.memory_space<vmem>>) semaphore(%arg12 : memref<!tpu.dma_semaphore, #tpu.memory_space<semaphore_mem>>)
      %add3A_471 = arith.constant 1 : i32
      %add3A_472 = arith.addi %mul3A_88, %add3A_471 : i32
      %dma_wait3A_473 = arith.constant 0 : i32
      %dma_wait3A_474 = arith.constant 0 : i32
      %dma_wait3A_475 = tpu.memref_slice %arg9[%dma_wait3A_473, %dma_wait3A_474] : memref<200x80xf32, #tpu.memory_space<vmem>> -> memref<104x80xf32, #tpu.memory_space<vmem>>
      %dma_wait3A_476 = arith.constant 0 : i32
      %dma_wait3A_477 = tpu.memref_slice %arg6[%add3A_472, %dma_wait3A_476] : memref<32x200xi32, #tpu.memory_space<vmem>> -> memref<1x104xi32, #tpu.memory_space<vmem>>
      %dma_wait3A_478 = tpu.memref_squeeze %dma_wait3A_477 : memref<1x104xi32, #tpu.memory_space<vmem>> -> memref<104xi32, #tpu.memory_space<vmem>>
      %dma_wait3A_479 = arith.constant 0 : i32
      %dma_wait3A_480 = arith.constant 0 : i32
      %dma_wait3A_481 = tpu.memref_slice %arg3[%dma_wait3A_479, %dma_wait3A_480] : memref<100000x80xf32, #tpu.memory_space<hbm>> -> memref<100000x80xf32, #tpu.memory_space<hbm>>
      tpu.wait_indirect_dma semaphore(%arg13 : memref<!tpu.dma_semaphore, #tpu.memory_space<semaphore_mem>>) src(%dma_wait3A_481 : memref<100000x80xf32, #tpu.memory_space<hbm>>) dst(%dma_wait3A_475 : memref<104x80xf32, #tpu.memory_space<vmem>>)
      %dma_wait3A_482 = arith.constant 104 : i32
      %dma_wait3A_483 = arith.constant 0 : i32
      %dma_wait3A_484 = tpu.memref_slice %arg9[%dma_wait3A_482, %dma_wait3A_483] : memref<200x80xf32, #tpu.memory_space<vmem>> -> memref<96x80xf32, #tpu.memory_space<vmem>>
      %dma_wait3A_485 = arith.constant 104 : i32
      %dma_wait3A_486 = tpu.memref_slice %arg6[%add3A_472, %dma_wait3A_485] : memref<32x200xi32, #tpu.memory_space<vmem>> -> memref<1x96xi32, #tpu.memory_space<vmem>>
      %dma_wait3A_487 = tpu.memref_squeeze %dma_wait3A_486 : memref<1x96xi32, #tpu.memory_space<vmem>> -> memref<96xi32, #tpu.memory_space<vmem>>
      %dma_wait3A_488 = arith.constant 0 : i32
      %dma_wait3A_489 = arith.constant 0 : i32
      %dma_wait3A_490 = tpu.memref_slice %arg3[%dma_wait3A_488, %dma_wait3A_489] : memref<100000x80xf32, #tpu.memory_space<hbm>> -> memref<100000x80xf32, #tpu.memory_space<hbm>>
      tpu.wait_indirect_dma semaphore(%arg13 : memref<!tpu.dma_semaphore, #tpu.memory_space<semaphore_mem>>) src(%dma_wait3A_490 : memref<100000x80xf32, #tpu.memory_space<hbm>>) dst(%dma_wait3A_484 : memref<96x80xf32, #tpu.memory_space<vmem>>)
      %dma_wait3A_491 = arith.constant 0 : i32
      %dma_wait3A_492 = arith.constant 0 : i32
      %dma_wait3A_493 = tpu.memref_slice %arg10[%dma_wait3A_491, %dma_wait3A_492] : memref<200x16xf32, #tpu.memory_space<vmem>> -> memref<104x16xf32, #tpu.memory_space<vmem>>
      %dma_wait3A_494 = arith.constant 0 : i32
      %dma_wait3A_495 = tpu.memref_slice %arg6[%add3A_472, %dma_wait3A_494] : memref<32x200xi32, #tpu.memory_space<vmem>> -> memref<1x104xi32, #tpu.memory_space<vmem>>
      %dma_wait3A_496 = tpu.memref_squeeze %dma_wait3A_495 : memref<1x104xi32, #tpu.memory_space<vmem>> -> memref<104xi32, #tpu.memory_space<vmem>>
      %dma_wait3A_497 = arith.constant 0 : i32
      %dma_wait3A_498 = arith.constant 0 : i32
      %dma_wait3A_499 = tpu.memref_slice %arg4[%dma_wait3A_497, %dma_wait3A_498] : memref<100000x16xf32, #tpu.memory_space<hbm>> -> memref<100000x16xf32, #tpu.memory_space<hbm>>
      tpu.wait_indirect_dma semaphore(%arg13 : memref<!tpu.dma_semaphore, #tpu.memory_space<semaphore_mem>>) src(%dma_wait3A_499 : memref<100000x16xf32, #tpu.memory_space<hbm>>) dst(%dma_wait3A_493 : memref<104x16xf32, #tpu.memory_space<vmem>>)
      %dma_wait3A_500 = arith.constant 104 : i32
      %dma_wait3A_501 = arith.constant 0 : i32
      %dma_wait3A_502 = tpu.memref_slice %arg10[%dma_wait3A_500, %dma_wait3A_501] : memref<200x16xf32, #tpu.memory_space<vmem>> -> memref<96x16xf32, #tpu.memory_space<vmem>>
      %dma_wait3A_503 = arith.constant 104 : i32
      %dma_wait3A_504 = tpu.memref_slice %arg6[%add3A_472, %dma_wait3A_503] : memref<32x200xi32, #tpu.memory_space<vmem>> -> memref<1x96xi32, #tpu.memory_space<vmem>>
      %dma_wait3A_505 = tpu.memref_squeeze %dma_wait3A_504 : memref<1x96xi32, #tpu.memory_space<vmem>> -> memref<96xi32, #tpu.memory_space<vmem>>
      %dma_wait3A_506 = arith.constant 0 : i32
      %dma_wait3A_507 = arith.constant 0 : i32
      %dma_wait3A_508 = tpu.memref_slice %arg4[%dma_wait3A_506, %dma_wait3A_507] : memref<100000x16xf32, #tpu.memory_space<hbm>> -> memref<100000x16xf32, #tpu.memory_space<hbm>>
      tpu.wait_indirect_dma semaphore(%arg13 : memref<!tpu.dma_semaphore, #tpu.memory_space<semaphore_mem>>) src(%dma_wait3A_508 : memref<100000x16xf32, #tpu.memory_space<hbm>>) dst(%dma_wait3A_502 : memref<96x16xf32, #tpu.memory_space<vmem>>)
      %add3A_509 = arith.constant 1 : i32
      %add3A_510 = arith.addi %mul3A_88, %add3A_509 : i32
      %get3A_511 = arith.constant 0 : i32
      %get3A_512 = arith.index_cast %get3A_511 : i32 to index
      %get3A_513 = arith.constant 0 : index
      %get3A_514 = tpu.vector_load %arg10[%get3A_512, %get3A_513] {strides = array<i32>} : memref<200x16xf32, #tpu.memory_space<vmem>>, vector<1x16xf32>,
      %get3A_515 = vector.shape_cast %get3A_514 : vector<1x16xf32> to vector<16xf32>
      %get3A_516 = arith.constant 1 : i32
      %get3A_517 = arith.index_cast %get3A_516 : i32 to index
      %get3A_518 = arith.constant 0 : index
      %get3A_519 = tpu.vector_load %arg10[%get3A_517, %get3A_518] {strides = array<i32>} : memref<200x16xf32, #tpu.memory_space<vmem>>, vector<1x16xf32>,
      %get3A_520 = vector.shape_cast %get3A_519 : vector<1x16xf32> to vector<16xf32>
      %get3A_521 = arith.constant 2 : i32
      %get3A_522 = arith.index_cast %get3A_521 : i32 to index
      %get3A_523 = arith.constant 0 : index
      %get3A_524 = tpu.vector_load %arg10[%get3A_522, %get3A_523] {strides = array<i32>} : memref<200x16xf32, #tpu.memory_space<vmem>>, vector<1x16xf32>,
      %get3A_525 = vector.shape_cast %get3A_524 : vector<1x16xf32> to vector<16xf32>
      %get3A_526 = arith.constant 3 : i32
      %get3A_527 = arith.index_cast %get3A_526 : i32 to index
      %get3A_528 = arith.constant 0 : index
      %get3A_529 = tpu.vector_load %arg10[%get3A_527, %get3A_528] {strides = array<i32>} : memref<200x16xf32, #tpu.memory_space<vmem>>, vector<1x16xf32>,
      %get3A_530 = vector.shape_cast %get3A_529 : vector<1x16xf32> to vector<16xf32>
      %get3A_531 = arith.constant 4 : i32
      %get3A_532 = arith.index_cast %get3A_531 : i32 to index
      %get3A_533 = arith.constant 0 : index
      %get3A_534 = tpu.vector_load %arg10[%get3A_532, %get3A_533] {strides = array<i32>} : memref<200x16xf32, #tpu.memory_space<vmem>>, vector<1x16xf32>,
      %get3A_535 = vector.shape_cast %get3A_534 : vector<1x16xf32> to vector<16xf32>
      %get3A_536 = arith.constant 2 : i32
      %get3A_537 = arith.index_cast %get3A_536 : i32 to index
      %get3A_538 = arith.constant 0 : index
      %get3A_539 = tpu.vector_load %arg9[%get3A_537, %get3A_538] {strides = array<i32>} : memref<200x80xf32, #tpu.memory_space<vmem>>, vector<1x16xf32>,
      %get3A_540 = vector.shape_cast %get3A_539 : vector<1x16xf32> to vector<16xf32>
      %mul3A_541 = arith.mulf %get3A_540, %get3A_515 : vector<16xf32>
      %get3A_542 = arith.constant 2 : i32
      %get3A_543 = arith.index_cast %get3A_542 : i32 to index
      %get3A_544 = arith.constant 16 : index
      %get3A_545 = tpu.vector_load %arg9[%get3A_543, %get3A_544] {strides = array<i32>} : memref<200x80xf32, #tpu.memory_space<vmem>>, vector<1x16xf32>,
      %get3A_546 = vector.shape_cast %get3A_545 : vector<1x16xf32> to vector<16xf32>
      %mul3A_547 = arith.mulf %get3A_546, %get3A_520 : vector<16xf32>
      %max3A_548 = arith.maximumf %mul3A_541, %mul3A_547 : vector<16xf32>
      %get3A_549 = arith.constant 2 : i32
      %get3A_550 = arith.index_cast %get3A_549 : i32 to index
      %get3A_551 = arith.constant 32 : index
      %get3A_552 = tpu.vector_load %arg9[%get3A_550, %get3A_551] {strides = array<i32>} : memref<200x80xf32, #tpu.memory_space<vmem>>, vector<1x16xf32>,
      %get3A_553 = vector.shape_cast %get3A_552 : vector<1x16xf32> to vector<16xf32>
      %mul3A_554 = arith.mulf %get3A_553, %get3A_525 : vector<16xf32>
      %max3A_555 = arith.maximumf %max3A_548, %mul3A_554 : vector<16xf32>
      %get3A_556 = arith.constant 2 : i32
      %get3A_557 = arith.index_cast %get3A_556 : i32 to index
      %get3A_558 = arith.constant 48 : index
      %get3A_559 = tpu.vector_load %arg9[%get3A_557, %get3A_558] {strides = array<i32>} : memref<200x80xf32, #tpu.memory_space<vmem>>, vector<1x16xf32>,
      %get3A_560 = vector.shape_cast %get3A_559 : vector<1x16xf32> to vector<16xf32>
      %mul3A_561 = arith.mulf %get3A_560, %get3A_530 : vector<16xf32>
      %max3A_562 = arith.maximumf %max3A_555, %mul3A_561 : vector<16xf32>
      %get3A_563 = arith.constant 2 : i32
      %get3A_564 = arith.index_cast %get3A_563 : i32 to index
      %get3A_565 = arith.constant 64 : index
      %get3A_566 = tpu.vector_load %arg9[%get3A_564, %get3A_565] {strides = array<i32>} : memref<200x80xf32, #tpu.memory_space<vmem>>, vector<1x16xf32>,
      %get3A_567 = vector.shape_cast %get3A_566 : vector<1x16xf32> to vector<16xf32>
      %mul3A_568 = arith.mulf %get3A_567, %get3A_535 : vector<16xf32>
      %max3A_569 = arith.maximumf %max3A_562, %mul3A_568 : vector<16xf32>
      %get3A_570 = arith.constant 41 : i32
      %get3A_571 = arith.index_cast %get3A_570 : i32 to index
      %get3A_572 = arith.constant 16 : index
      %get3A_573 = tpu.vector_load %arg9[%get3A_571, %get3A_572] {strides = array<i32>} : memref<200x80xf32, #tpu.memory_space<vmem>>, vector<1x16xf32>,
      %get3A_574 = vector.shape_cast %get3A_573 : vector<1x16xf32> to vector<16xf32>
      %mul3A_575 = arith.mulf %get3A_574, %get3A_520 : vector<16xf32>
      %get3A_576 = arith.constant 41 : i32
      %get3A_577 = arith.index_cast %get3A_576 : i32 to index
      %get3A_578 = arith.constant 32 : index
      %get3A_579 = tpu.vector_load %arg9[%get3A_577, %get3A_578] {strides = array<i32>} : memref<200x80xf32, #tpu.memory_space<vmem>>, vector<1x16xf32>,
      %get3A_580 = vector.shape_cast %get3A_579 : vector<1x16xf32> to vector<16xf32>
      %mul3A_581 = arith.mulf %get3A_580, %get3A_525 : vector<16xf32>
      %max3A_582 = arith.maximumf %mul3A_575, %mul3A_581 : vector<16xf32>
      %get3A_583 = arith.constant 41 : i32
      %get3A_584 = arith.index_cast %get3A_583 : i32 to index
      %get3A_585 = arith.constant 48 : index
      %get3A_586 = tpu.vector_load %arg9[%get3A_584, %get3A_585] {strides = array<i32>} : memref<200x80xf32, #tpu.memory_space<vmem>>, vector<1x16xf32>,
      %get3A_587 = vector.shape_cast %get3A_586 : vector<1x16xf32> to vector<16xf32>
      %mul3A_588 = arith.mulf %get3A_587, %get3A_530 : vector<16xf32>
      %max3A_589 = arith.maximumf %max3A_582, %mul3A_588 : vector<16xf32>
      %get3A_590 = arith.constant 41 : i32
      %get3A_591 = arith.index_cast %get3A_590 : i32 to index
      %get3A_592 = arith.constant 64 : index
      %get3A_593 = tpu.vector_load %arg9[%get3A_591, %get3A_592] {strides = array<i32>} : memref<200x80xf32, #tpu.memory_space<vmem>>, vector<1x16xf32>,
      %get3A_594 = vector.shape_cast %get3A_593 : vector<1x16xf32> to vector<16xf32>
      %mul3A_595 = arith.mulf %get3A_594, %get3A_535 : vector<16xf32>
      %max3A_596 = arith.maximumf %max3A_589, %mul3A_595 : vector<16xf32>
      %get3A_597 = arith.constant 80 : i32
      %get3A_598 = arith.index_cast %get3A_597 : i32 to index
      %get3A_599 = arith.constant 32 : index
      %get3A_600 = tpu.vector_load %arg9[%get3A_598, %get3A_599] {strides = array<i32>} : memref<200x80xf32, #tpu.memory_space<vmem>>, vector<1x16xf32>,
      %get3A_601 = vector.shape_cast %get3A_600 : vector<1x16xf32> to vector<16xf32>
      %mul3A_602 = arith.mulf %get3A_601, %get3A_525 : vector<16xf32>
      %get3A_603 = arith.constant 80 : i32
      %get3A_604 = arith.index_cast %get3A_603 : i32 to index
      %get3A_605 = arith.constant 48 : index
      %get3A_606 = tpu.vector_load %arg9[%get3A_604, %get3A_605] {strides = array<i32>} : memref<200x80xf32, #tpu.memory_space<vmem>>, vector<1x16xf32>,
      %get3A_607 = vector.shape_cast %get3A_606 : vector<1x16xf32> to vector<16xf32>
      %mul3A_608 = arith.mulf %get3A_607, %get3A_530 : vector<16xf32>
      %max3A_609 = arith.maximumf %mul3A_602, %mul3A_608 : vector<16xf32>
      %get3A_610 = arith.constant 80 : i32
      %get3A_611 = arith.index_cast %get3A_610 : i32 to index
      %get3A_612 = arith.constant 64 : index
      %get3A_613 = tpu.vector_load %arg9[%get3A_611, %get3A_612] {strides = array<i32>} : memref<200x80xf32, #tpu.memory_space<vmem>>, vector<1x16xf32>,
      %get3A_614 = vector.shape_cast %get3A_613 : vector<1x16xf32> to vector<16xf32>
      %mul3A_615 = arith.mulf %get3A_614, %get3A_535 : vector<16xf32>
      %max3A_616 = arith.maximumf %max3A_609, %mul3A_615 : vector<16xf32>
      %get3A_617 = arith.constant 119 : i32
      %get3A_618 = arith.index_cast %get3A_617 : i32 to index
      %get3A_619 = arith.constant 48 : index
      %get3A_620 = tpu.vector_load %arg9[%get3A_618, %get3A_619] {strides = array<i32>} : memref<200x80xf32, #tpu.memory_space<vmem>>, vector<1x16xf32>,
      %get3A_621 = vector.shape_cast %get3A_620 : vector<1x16xf32> to vector<16xf32>
      %mul3A_622 = arith.mulf %get3A_621, %get3A_530 : vector<16xf32>
      %get3A_623 = arith.constant 119 : i32
      %get3A_624 = arith.index_cast %get3A_623 : i32 to index
      %get3A_625 = arith.constant 64 : index
      %get3A_626 = tpu.vector_load %arg9[%get3A_624, %get3A_625] {strides = array<i32>} : memref<200x80xf32, #tpu.memory_space<vmem>>, vector<1x16xf32>,
      %get3A_627 = vector.shape_cast %get3A_626 : vector<1x16xf32> to vector<16xf32>
      %mul3A_628 = arith.mulf %get3A_627, %get3A_535 : vector<16xf32>
      %max3A_629 = arith.maximumf %mul3A_622, %mul3A_628 : vector<16xf32>
      %get3A_630 = arith.constant 158 : i32
      %get3A_631 = arith.index_cast %get3A_630 : i32 to index
      %get3A_632 = arith.constant 64 : index
      %get3A_633 = tpu.vector_load %arg9[%get3A_631, %get3A_632] {strides = array<i32>} : memref<200x80xf32, #tpu.memory_space<vmem>>, vector<1x16xf32>,
      %get3A_634 = vector.shape_cast %get3A_633 : vector<1x16xf32> to vector<16xf32>
      %mul3A_635 = arith.mulf %get3A_634, %get3A_535 : vector<16xf32>
      %scan3A_636 = arith.constant 1 : i32
      %scan3A_637 = arith.constant 38 : i32
      %scan3A_638 = arith.addi %scan3A_636, %scan3A_637 : i32
      %scan3A_639 = arith.constant 1 : i32
      %scan3A_640 = scf.for %scan3A_781 = %scan3A_636 to %scan3A_638 step %scan3A_639 iter_args(%scan3A_782 = %max3A_569) -> (vector<16xf32>)  : i32 {
        %mul3A_783 = arith.constant 5 : i32
        %mul3A_784 = arith.muli %mul3A_783, %scan3A_781 : i32
        %add3A_785 = arith.constant 0 : i32
        %add3A_786 = arith.addi %mul3A_784, %add3A_785 : i32
        %get3A_787 = arith.index_cast %add3A_786 : i32 to index
        %get3A_788 = arith.constant 0 : index
        %get3A_789 = tpu.vector_load %arg10[%get3A_787, %get3A_788] {strides = array<i32>} : memref<200x16xf32, #tpu.memory_space<vmem>>, vector<1x16xf32>,
        %get3A_790 = vector.shape_cast %get3A_789 : vector<1x16xf32> to vector<16xf32>
        %mul3A_791 = arith.constant 5 : i32
        %mul3A_792 = arith.muli %mul3A_791, %scan3A_781 : i32
        %add3A_793 = arith.constant 1 : i32
        %add3A_794 = arith.addi %mul3A_792, %add3A_793 : i32
        %get3A_795 = arith.index_cast %add3A_794 : i32 to index
        %get3A_796 = arith.constant 0 : index
        %get3A_797 = tpu.vector_load %arg10[%get3A_795, %get3A_796] {strides = array<i32>} : memref<200x16xf32, #tpu.memory_space<vmem>>, vector<1x16xf32>,
        %get3A_798 = vector.shape_cast %get3A_797 : vector<1x16xf32> to vector<16xf32>
        %mul3A_799 = arith.constant 5 : i32
        %mul3A_800 = arith.muli %mul3A_799, %scan3A_781 : i32
        %add3A_801 = arith.constant 2 : i32
        %add3A_802 = arith.addi %mul3A_800, %add3A_801 : i32
        %get3A_803 = arith.index_cast %add3A_802 : i32 to index
        %get3A_804 = arith.constant 0 : index
        %get3A_805 = tpu.vector_load %arg10[%get3A_803, %get3A_804] {strides = array<i32>} : memref<200x16xf32, #tpu.memory_space<vmem>>, vector<1x16xf32>,
        %get3A_806 = vector.shape_cast %get3A_805 : vector<1x16xf32> to vector<16xf32>
        %mul3A_807 = arith.constant 5 : i32
        %mul3A_808 = arith.muli %mul3A_807, %scan3A_781 : i32
        %add3A_809 = arith.constant 3 : i32
        %add3A_810 = arith.addi %mul3A_808, %add3A_809 : i32
        %get3A_811 = arith.index_cast %add3A_810 : i32 to index
        %get3A_812 = arith.constant 0 : index
        %get3A_813 = tpu.vector_load %arg10[%get3A_811, %get3A_812] {strides = array<i32>} : memref<200x16xf32, #tpu.memory_space<vmem>>, vector<1x16xf32>,
        %get3A_814 = vector.shape_cast %get3A_813 : vector<1x16xf32> to vector<16xf32>
        %mul3A_815 = arith.constant 5 : i32
        %mul3A_816 = arith.muli %mul3A_815, %scan3A_781 : i32
        %add3A_817 = arith.constant 4 : i32
        %add3A_818 = arith.addi %mul3A_816, %add3A_817 : i32
        %get3A_819 = arith.index_cast %add3A_818 : i32 to index
        %get3A_820 = arith.constant 0 : index
        %get3A_821 = tpu.vector_load %arg10[%get3A_819, %get3A_820] {strides = array<i32>} : memref<200x16xf32, #tpu.memory_space<vmem>>, vector<1x16xf32>,
        %get3A_822 = vector.shape_cast %get3A_821 : vector<1x16xf32> to vector<16xf32>
        %add3A_823 = arith.constant 0 : i32
        %add3A_824 = arith.addi %scan3A_781, %add3A_823 : i32
        %add3A_825 = arith.constant 2 : i32
        %add3A_826 = arith.addi %add3A_824, %add3A_825 : i32
        %get3A_827 = arith.index_cast %add3A_826 : i32 to index
        %get3A_828 = arith.constant 0 : index
        %get3A_829 = tpu.vector_load %arg9[%get3A_827, %get3A_828] {strides = array<i32>} : memref<200x80xf32, #tpu.memory_space<vmem>>, vector<1x16xf32>,
        %get3A_830 = vector.shape_cast %get3A_829 : vector<1x16xf32> to vector<16xf32>
        %mul3A_831 = arith.mulf %get3A_830, %get3A_790 : vector<16xf32>
        %get3A_832 = arith.index_cast %add3A_826 : i32 to index
        %get3A_833 = arith.constant 16 : index
        %get3A_834 = tpu.vector_load %arg9[%get3A_832, %get3A_833] {strides = array<i32>} : memref<200x80xf32, #tpu.memory_space<vmem>>, vector<1x16xf32>,
        %get3A_835 = vector.shape_cast %get3A_834 : vector<1x16xf32> to vector<16xf32>
        %mul3A_836 = arith.mulf %get3A_835, %get3A_798 : vector<16xf32>
        %max3A_837 = arith.maximumf %mul3A_831, %mul3A_836 : vector<16xf32>
        %get3A_838 = arith.index_cast %add3A_826 : i32 to index
        %get3A_839 = arith.constant 32 : index
        %get3A_840 = tpu.vector_load %arg9[%get3A_838, %get3A_839] {strides = array<i32>} : memref<200x80xf32, #tpu.memory_space<vmem>>, vector<1x16xf32>,
        %get3A_841 = vector.shape_cast %get3A_840 : vector<1x16xf32> to vector<16xf32>
        %mul3A_842 = arith.mulf %get3A_841, %get3A_806 : vector<16xf32>
        %max3A_843 = arith.maximumf %max3A_837, %mul3A_842 : vector<16xf32>
        %get3A_844 = arith.index_cast %add3A_826 : i32 to index
        %get3A_845 = arith.constant 48 : index
        %get3A_846 = tpu.vector_load %arg9[%get3A_844, %get3A_845] {strides = array<i32>} : memref<200x80xf32, #tpu.memory_space<vmem>>, vector<1x16xf32>,
        %get3A_847 = vector.shape_cast %get3A_846 : vector<1x16xf32> to vector<16xf32>
        %mul3A_848 = arith.mulf %get3A_847, %get3A_814 : vector<16xf32>
        %max3A_849 = arith.maximumf %max3A_843, %mul3A_848 : vector<16xf32>
        %get3A_850 = arith.index_cast %add3A_826 : i32 to index
        %get3A_851 = arith.constant 64 : index
        %get3A_852 = tpu.vector_load %arg9[%get3A_850, %get3A_851] {strides = array<i32>} : memref<200x80xf32, #tpu.memory_space<vmem>>, vector<1x16xf32>,
        %get3A_853 = vector.shape_cast %get3A_852 : vector<1x16xf32> to vector<16xf32>
        %mul3A_854 = arith.mulf %get3A_853, %get3A_822 : vector<16xf32>
        %max3A_855 = arith.maximumf %max3A_849, %mul3A_854 : vector<16xf32>
        %add3A_856 = arith.addf %scan3A_782, %max3A_855 : vector<16xf32>
        %add3A_857 = arith.constant 39 : i32
        %add3A_858 = arith.addi %scan3A_781, %add3A_857 : i32
        %add3A_859 = arith.constant 2 : i32
        %add3A_860 = arith.addi %add3A_858, %add3A_859 : i32
        %get3A_861 = arith.index_cast %add3A_860 : i32 to index
        %get3A_862 = arith.constant 0 : index
        %get3A_863 = tpu.vector_load %arg9[%get3A_861, %get3A_862] {strides = array<i32>} : memref<200x80xf32, #tpu.memory_space<vmem>>, vector<1x16xf32>,
        %get3A_864 = vector.shape_cast %get3A_863 : vector<1x16xf32> to vector<16xf32>
        %mul3A_865 = arith.mulf %get3A_864, %get3A_790 : vector<16xf32>
        %get3A_866 = arith.index_cast %add3A_860 : i32 to index
        %get3A_867 = arith.constant 16 : index
        %get3A_868 = tpu.vector_load %arg9[%get3A_866, %get3A_867] {strides = array<i32>} : memref<200x80xf32, #tpu.memory_space<vmem>>, vector<1x16xf32>,
        %get3A_869 = vector.shape_cast %get3A_868 : vector<1x16xf32> to vector<16xf32>
        %mul3A_870 = arith.mulf %get3A_869, %get3A_798 : vector<16xf32>
        %max3A_871 = arith.maximumf %mul3A_865, %mul3A_870 : vector<16xf32>
        %get3A_872 = arith.index_cast %add3A_860 : i32 to index
        %get3A_873 = arith.constant 32 : index
        %get3A_874 = tpu.vector_load %arg9[%get3A_872, %get3A_873] {strides = array<i32>} : memref<200x80xf32, #tpu.memory_space<vmem>>, vector<1x16xf32>,
        %get3A_875 = vector.shape_cast %get3A_874 : vector<1x16xf32> to vector<16xf32>
        %mul3A_876 = arith.mulf %get3A_875, %get3A_806 : vector<16xf32>
        %max3A_877 = arith.maximumf %max3A_871, %mul3A_876 : vector<16xf32>
        %get3A_878 = arith.index_cast %add3A_860 : i32 to index
        %get3A_879 = arith.constant 48 : index
        %get3A_880 = tpu.vector_load %arg9[%get3A_878, %get3A_879] {strides = array<i32>} : memref<200x80xf32, #tpu.memory_space<vmem>>, vector<1x16xf32>,
        %get3A_881 = vector.shape_cast %get3A_880 : vector<1x16xf32> to vector<16xf32>
        %mul3A_882 = arith.mulf %get3A_881, %get3A_814 : vector<16xf32>
        %max3A_883 = arith.maximumf %max3A_877, %mul3A_882 : vector<16xf32>
        %get3A_884 = arith.index_cast %add3A_860 : i32 to index
        %get3A_885 = arith.constant 64 : index
        %get3A_886 = tpu.vector_load %arg9[%get3A_884, %get3A_885] {strides = array<i32>} : memref<200x80xf32, #tpu.memory_space<vmem>>, vector<1x16xf32>,
        %get3A_887 = vector.shape_cast %get3A_886 : vector<1x16xf32> to vector<16xf32>
        %mul3A_888 = arith.mulf %get3A_887, %get3A_822 : vector<16xf32>
        %max3A_889 = arith.maximumf %max3A_883, %mul3A_888 : vector<16xf32>
        %add3A_890 = arith.addf %add3A_856, %max3A_889 : vector<16xf32>
        %add3A_891 = arith.constant 78 : i32
        %add3A_892 = arith.addi %scan3A_781, %add3A_891 : i32
        %add3A_893 = arith.constant 2 : i32
        %add3A_894 = arith.addi %add3A_892, %add3A_893 : i32
        %get3A_895 = arith.index_cast %add3A_894 : i32 to index
        %get3A_896 = arith.constant 0 : index
        %get3A_897 = tpu.vector_load %arg9[%get3A_895, %get3A_896] {strides = array<i32>} : memref<200x80xf32, #tpu.memory_space<vmem>>, vector<1x16xf32>,
        %get3A_898 = vector.shape_cast %get3A_897 : vector<1x16xf32> to vector<16xf32>
        %mul3A_899 = arith.mulf %get3A_898, %get3A_790 : vector<16xf32>
        %get3A_900 = arith.index_cast %add3A_894 : i32 to index
        %get3A_901 = arith.constant 16 : index
        %get3A_902 = tpu.vector_load %arg9[%get3A_900, %get3A_901] {strides = array<i32>} : memref<200x80xf32, #tpu.memory_space<vmem>>, vector<1x16xf32>,
        %get3A_903 = vector.shape_cast %get3A_902 : vector<1x16xf32> to vector<16xf32>
        %mul3A_904 = arith.mulf %get3A_903, %get3A_798 : vector<16xf32>
        %max3A_905 = arith.maximumf %mul3A_899, %mul3A_904 : vector<16xf32>
        %get3A_906 = arith.index_cast %add3A_894 : i32 to index
        %get3A_907 = arith.constant 32 : index
        %get3A_908 = tpu.vector_load %arg9[%get3A_906, %get3A_907] {strides = array<i32>} : memref<200x80xf32, #tpu.memory_space<vmem>>, vector<1x16xf32>,
        %get3A_909 = vector.shape_cast %get3A_908 : vector<1x16xf32> to vector<16xf32>
        %mul3A_910 = arith.mulf %get3A_909, %get3A_806 : vector<16xf32>
        %max3A_911 = arith.maximumf %max3A_905, %mul3A_910 : vector<16xf32>
        %get3A_912 = arith.index_cast %add3A_894 : i32 to index
        %get3A_913 = arith.constant 48 : index
        %get3A_914 = tpu.vector_load %arg9[%get3A_912, %get3A_913] {strides = array<i32>} : memref<200x80xf32, #tpu.memory_space<vmem>>, vector<1x16xf32>,
        %get3A_915 = vector.shape_cast %get3A_914 : vector<1x16xf32> to vector<16xf32>
        %mul3A_916 = arith.mulf %get3A_915, %get3A_814 : vector<16xf32>
        %max3A_917 = arith.maximumf %max3A_911, %mul3A_916 : vector<16xf32>
        %get3A_918 = arith.index_cast %add3A_894 : i32 to index
        %get3A_919 = arith.constant 64 : index
        %get3A_920 = tpu.vector_load %arg9[%get3A_918, %get3A_919] {strides = array<i32>} : memref<200x80xf32, #tpu.memory_space<vmem>>, vector<1x16xf32>,
        %get3A_921 = vector.shape_cast %get3A_920 : vector<1x16xf32> to vector<16xf32>
        %mul3A_922 = arith.mulf %get3A_921, %get3A_822 : vector<16xf32>
        %max3A_923 = arith.maximumf %max3A_917, %mul3A_922 : vector<16xf32>
        %add3A_924 = arith.addf %add3A_890, %max3A_923 : vector<16xf32>
        %add3A_925 = arith.constant 117 : i32
        %add3A_926 = arith.addi %scan3A_781, %add3A_925 : i32
        %add3A_927 = arith.constant 2 : i32
        %add3A_928 = arith.addi %add3A_926, %add3A_927 : i32
        %get3A_929 = arith.index_cast %add3A_928 : i32 to index
        %get3A_930 = arith.constant 0 : index
        %get3A_931 = tpu.vector_load %arg9[%get3A_929, %get3A_930] {strides = array<i32>} : memref<200x80xf32, #tpu.memory_space<vmem>>, vector<1x16xf32>,
        %get3A_932 = vector.shape_cast %get3A_931 : vector<1x16xf32> to vector<16xf32>
        %mul3A_933 = arith.mulf %get3A_932, %get3A_790 : vector<16xf32>
        %get3A_934 = arith.index_cast %add3A_928 : i32 to index
        %get3A_935 = arith.constant 16 : index
        %get3A_936 = tpu.vector_load %arg9[%get3A_934, %get3A_935] {strides = array<i32>} : memref<200x80xf32, #tpu.memory_space<vmem>>, vector<1x16xf32>,
        %get3A_937 = vector.shape_cast %get3A_936 : vector<1x16xf32> to vector<16xf32>
        %mul3A_938 = arith.mulf %get3A_937, %get3A_798 : vector<16xf32>
        %max3A_939 = arith.maximumf %mul3A_933, %mul3A_938 : vector<16xf32>
        %get3A_940 = arith.index_cast %add3A_928 : i32 to index
        %get3A_941 = arith.constant 32 : index
        %get3A_942 = tpu.vector_load %arg9[%get3A_940, %get3A_941] {strides = array<i32>} : memref<200x80xf32, #tpu.memory_space<vmem>>, vector<1x16xf32>,
        %get3A_943 = vector.shape_cast %get3A_942 : vector<1x16xf32> to vector<16xf32>
        %mul3A_944 = arith.mulf %get3A_943, %get3A_806 : vector<16xf32>
        %max3A_945 = arith.maximumf %max3A_939, %mul3A_944 : vector<16xf32>
        %get3A_946 = arith.index_cast %add3A_928 : i32 to index
        %get3A_947 = arith.constant 48 : index
        %get3A_948 = tpu.vector_load %arg9[%get3A_946, %get3A_947] {strides = array<i32>} : memref<200x80xf32, #tpu.memory_space<vmem>>, vector<1x16xf32>,
        %get3A_949 = vector.shape_cast %get3A_948 : vector<1x16xf32> to vector<16xf32>
        %mul3A_950 = arith.mulf %get3A_949, %get3A_814 : vector<16xf32>
        %max3A_951 = arith.maximumf %max3A_945, %mul3A_950 : vector<16xf32>
        %get3A_952 = arith.index_cast %add3A_928 : i32 to index
        %get3A_953 = arith.constant 64 : index
        %get3A_954 = tpu.vector_load %arg9[%get3A_952, %get3A_953] {strides = array<i32>} : memref<200x80xf32, #tpu.memory_space<vmem>>, vector<1x16xf32>,
        %get3A_955 = vector.shape_cast %get3A_954 : vector<1x16xf32> to vector<16xf32>
        %mul3A_956 = arith.mulf %get3A_955, %get3A_822 : vector<16xf32>
        %max3A_957 = arith.maximumf %max3A_951, %mul3A_956 : vector<16xf32>
        %add3A_958 = arith.addf %add3A_924, %max3A_957 : vector<16xf32>
        %add3A_959 = arith.constant 156 : i32
        %add3A_960 = arith.addi %scan3A_781, %add3A_959 : i32
        %add3A_961 = arith.constant 2 : i32
        %add3A_962 = arith.addi %add3A_960, %add3A_961 : i32
        %get3A_963 = arith.index_cast %add3A_962 : i32 to index
        %get3A_964 = arith.constant 0 : index
        %get3A_965 = tpu.vector_load %arg9[%get3A_963, %get3A_964] {strides = array<i32>} : memref<200x80xf32, #tpu.memory_space<vmem>>, vector<1x16xf32>,
        %get3A_966 = vector.shape_cast %get3A_965 : vector<1x16xf32> to vector<16xf32>
        %mul3A_967 = arith.mulf %get3A_966, %get3A_790 : vector<16xf32>
        %get3A_968 = arith.index_cast %add3A_962 : i32 to index
        %get3A_969 = arith.constant 16 : index
        %get3A_970 = tpu.vector_load %arg9[%get3A_968, %get3A_969] {strides = array<i32>} : memref<200x80xf32, #tpu.memory_space<vmem>>, vector<1x16xf32>,
        %get3A_971 = vector.shape_cast %get3A_970 : vector<1x16xf32> to vector<16xf32>
        %mul3A_972 = arith.mulf %get3A_971, %get3A_798 : vector<16xf32>
        %max3A_973 = arith.maximumf %mul3A_967, %mul3A_972 : vector<16xf32>
        %get3A_974 = arith.index_cast %add3A_962 : i32 to index
        %get3A_975 = arith.constant 32 : index
        %get3A_976 = tpu.vector_load %arg9[%get3A_974, %get3A_975] {strides = array<i32>} : memref<200x80xf32, #tpu.memory_space<vmem>>, vector<1x16xf32>,
        %get3A_977 = vector.shape_cast %get3A_976 : vector<1x16xf32> to vector<16xf32>
        %mul3A_978 = arith.mulf %get3A_977, %get3A_806 : vector<16xf32>
        %max3A_979 = arith.maximumf %max3A_973, %mul3A_978 : vector<16xf32>
        %get3A_980 = arith.index_cast %add3A_962 : i32 to index
        %get3A_981 = arith.constant 48 : index
        %get3A_982 = tpu.vector_load %arg9[%get3A_980, %get3A_981] {strides = array<i32>} : memref<200x80xf32, #tpu.memory_space<vmem>>, vector<1x16xf32>,
        %get3A_983 = vector.shape_cast %get3A_982 : vector<1x16xf32> to vector<16xf32>
        %mul3A_984 = arith.mulf %get3A_983, %get3A_814 : vector<16xf32>
        %max3A_985 = arith.maximumf %max3A_979, %mul3A_984 : vector<16xf32>
        %get3A_986 = arith.index_cast %add3A_962 : i32 to index
        %get3A_987 = arith.constant 64 : index
        %get3A_988 = tpu.vector_load %arg9[%get3A_986, %get3A_987] {strides = array<i32>} : memref<200x80xf32, #tpu.memory_space<vmem>>, vector<1x16xf32>,
        %get3A_989 = vector.shape_cast %get3A_988 : vector<1x16xf32> to vector<16xf32>
        %mul3A_990 = arith.mulf %get3A_989, %get3A_822 : vector<16xf32>
        %max3A_991 = arith.maximumf %max3A_985, %mul3A_990 : vector<16xf32>
        %add3A_992 = arith.addf %add3A_958, %max3A_991 : vector<16xf32>
        scf.yield %add3A_992 : vector<16xf32>
      }
      %scan3A_641 = arith.constant 38 : i32
      %get3A_642 = arith.constant 195 : i32
      %get3A_643 = arith.index_cast %get3A_642 : i32 to index
      %get3A_644 = arith.constant 0 : index
      %get3A_645 = tpu.vector_load %arg10[%get3A_643, %get3A_644] {strides = array<i32>} : memref<200x16xf32, #tpu.memory_space<vmem>>, vector<1x16xf32>,
      %get3A_646 = vector.shape_cast %get3A_645 : vector<1x16xf32> to vector<16xf32>
      %get3A_647 = arith.constant 196 : i32
      %get3A_648 = arith.index_cast %get3A_647 : i32 to index
      %get3A_649 = arith.constant 0 : index
      %get3A_650 = tpu.vector_load %arg10[%get3A_648, %get3A_649] {strides = array<i32>} : memref<200x16xf32, #tpu.memory_space<vmem>>, vector<1x16xf32>,
      %get3A_651 = vector.shape_cast %get3A_650 : vector<1x16xf32> to vector<16xf32>
      %get3A_652 = arith.constant 197 : i32
      %get3A_653 = arith.index_cast %get3A_652 : i32 to index
      %get3A_654 = arith.constant 0 : index
      %get3A_655 = tpu.vector_load %arg10[%get3A_653, %get3A_654] {strides = array<i32>} : memref<200x16xf32, #tpu.memory_space<vmem>>, vector<1x16xf32>,
      %get3A_656 = vector.shape_cast %get3A_655 : vector<1x16xf32> to vector<16xf32>
      %get3A_657 = arith.constant 198 : i32
      %get3A_658 = arith.index_cast %get3A_657 : i32 to index
      %get3A_659 = arith.constant 0 : index
      %get3A_660 = tpu.vector_load %arg10[%get3A_658, %get3A_659] {strides = array<i32>} : memref<200x16xf32, #tpu.memory_space<vmem>>, vector<1x16xf32>,
      %get3A_661 = vector.shape_cast %get3A_660 : vector<1x16xf32> to vector<16xf32>
      %get3A_662 = arith.constant 199 : i32
      %get3A_663 = arith.index_cast %get3A_662 : i32 to index
      %get3A_664 = arith.constant 0 : index
      %get3A_665 = tpu.vector_load %arg10[%get3A_663, %get3A_664] {strides = array<i32>} : memref<200x16xf32, #tpu.memory_space<vmem>>, vector<1x16xf32>,
      %get3A_666 = vector.shape_cast %get3A_665 : vector<1x16xf32> to vector<16xf32>
      %get3A_667 = arith.constant 41 : i32
      %get3A_668 = arith.index_cast %get3A_667 : i32 to index
      %get3A_669 = arith.constant 0 : index
      %get3A_670 = tpu.vector_load %arg9[%get3A_668, %get3A_669] {strides = array<i32>} : memref<200x80xf32, #tpu.memory_space<vmem>>, vector<1x16xf32>,
      %get3A_671 = vector.shape_cast %get3A_670 : vector<1x16xf32> to vector<16xf32>
      %mul3A_672 = arith.mulf %get3A_671, %get3A_646 : vector<16xf32>
      %max3A_673 = arith.maximumf %max3A_596, %mul3A_672 : vector<16xf32>
      %add3A_674 = arith.addf %scan3A_640, %max3A_673 : vector<16xf32>
      %get3A_675 = arith.constant 80 : i32
      %get3A_676 = arith.index_cast %get3A_675 : i32 to index
      %get3A_677 = arith.constant 0 : index
      %get3A_678 = tpu.vector_load %arg9[%get3A_676, %get3A_677] {strides = array<i32>} : memref<200x80xf32, #tpu.memory_space<vmem>>, vector<1x16xf32>,
      %get3A_679 = vector.shape_cast %get3A_678 : vector<1x16xf32> to vector<16xf32>
      %mul3A_680 = arith.mulf %get3A_679, %get3A_646 : vector<16xf32>
      %max3A_681 = arith.maximumf %max3A_616, %mul3A_680 : vector<16xf32>
      %get3A_682 = arith.constant 80 : i32
      %get3A_683 = arith.index_cast %get3A_682 : i32 to index
      %get3A_684 = arith.constant 16 : index
      %get3A_685 = tpu.vector_load %arg9[%get3A_683, %get3A_684] {strides = array<i32>} : memref<200x80xf32, #tpu.memory_space<vmem>>, vector<1x16xf32>,
      %get3A_686 = vector.shape_cast %get3A_685 : vector<1x16xf32> to vector<16xf32>
      %mul3A_687 = arith.mulf %get3A_686, %get3A_651 : vector<16xf32>
      %max3A_688 = arith.maximumf %max3A_681, %mul3A_687 : vector<16xf32>
      %add3A_689 = arith.addf %add3A_674, %max3A_688 : vector<16xf32>
      %get3A_690 = arith.constant 119 : i32
      %get3A_691 = arith.index_cast %get3A_690 : i32 to index
      %get3A_692 = arith.constant 0 : index
      %get3A_693 = tpu.vector_load %arg9[%get3A_691, %get3A_692] {strides = array<i32>} : memref<200x80xf32, #tpu.memory_space<vmem>>, vector<1x16xf32>,
      %get3A_694 = vector.shape_cast %get3A_693 : vector<1x16xf32> to vector<16xf32>
      %mul3A_695 = arith.mulf %get3A_694, %get3A_646 : vector<16xf32>
      %max3A_696 = arith.maximumf %max3A_629, %mul3A_695 : vector<16xf32>
      %get3A_697 = arith.constant 119 : i32
      %get3A_698 = arith.index_cast %get3A_697 : i32 to index
      %get3A_699 = arith.constant 16 : index
      %get3A_700 = tpu.vector_load %arg9[%get3A_698, %get3A_699] {strides = array<i32>} : memref<200x80xf32, #tpu.memory_space<vmem>>, vector<1x16xf32>,
      %get3A_701 = vector.shape_cast %get3A_700 : vector<1x16xf32> to vector<16xf32>
      %mul3A_702 = arith.mulf %get3A_701, %get3A_651 : vector<16xf32>
      %max3A_703 = arith.maximumf %max3A_696, %mul3A_702 : vector<16xf32>
      %get3A_704 = arith.constant 119 : i32
      %get3A_705 = arith.index_cast %get3A_704 : i32 to index
      %get3A_706 = arith.constant 32 : index
      %get3A_707 = tpu.vector_load %arg9[%get3A_705, %get3A_706] {strides = array<i32>} : memref<200x80xf32, #tpu.memory_space<vmem>>, vector<1x16xf32>,
      %get3A_708 = vector.shape_cast %get3A_707 : vector<1x16xf32> to vector<16xf32>
      %mul3A_709 = arith.mulf %get3A_708, %get3A_656 : vector<16xf32>
      %max3A_710 = arith.maximumf %max3A_703, %mul3A_709 : vector<16xf32>
      %add3A_711 = arith.addf %add3A_689, %max3A_710 : vector<16xf32>
      %get3A_712 = arith.constant 158 : i32
      %get3A_713 = arith.index_cast %get3A_712 : i32 to index
      %get3A_714 = arith.constant 0 : index
      %get3A_715 = tpu.vector_load %arg9[%get3A_713, %get3A_714] {strides = array<i32>} : memref<200x80xf32, #tpu.memory_space<vmem>>, vector<1x16xf32>,
      %get3A_716 = vector.shape_cast %get3A_715 : vector<1x16xf32> to vector<16xf32>
      %mul3A_717 = arith.mulf %get3A_716, %get3A_646 : vector<16xf32>
      %max3A_718 = arith.maximumf %mul3A_635, %mul3A_717 : vector<16xf32>
      %get3A_719 = arith.constant 158 : i32
      %get3A_720 = arith.index_cast %get3A_719 : i32 to index
      %get3A_721 = arith.constant 16 : index
      %get3A_722 = tpu.vector_load %arg9[%get3A_720, %get3A_721] {strides = array<i32>} : memref<200x80xf32, #tpu.memory_space<vmem>>, vector<1x16xf32>,
      %get3A_723 = vector.shape_cast %get3A_722 : vector<1x16xf32> to vector<16xf32>
      %mul3A_724 = arith.mulf %get3A_723, %get3A_651 : vector<16xf32>
      %max3A_725 = arith.maximumf %max3A_718, %mul3A_724 : vector<16xf32>
      %get3A_726 = arith.constant 158 : i32
      %get3A_727 = arith.index_cast %get3A_726 : i32 to index
      %get3A_728 = arith.constant 32 : index
      %get3A_729 = tpu.vector_load %arg9[%get3A_727, %get3A_728] {strides = array<i32>} : memref<200x80xf32, #tpu.memory_space<vmem>>, vector<1x16xf32>,
      %get3A_730 = vector.shape_cast %get3A_729 : vector<1x16xf32> to vector<16xf32>
      %mul3A_731 = arith.mulf %get3A_730, %get3A_656 : vector<16xf32>
      %max3A_732 = arith.maximumf %max3A_725, %mul3A_731 : vector<16xf32>
      %get3A_733 = arith.constant 158 : i32
      %get3A_734 = arith.index_cast %get3A_733 : i32 to index
      %get3A_735 = arith.constant 48 : index
      %get3A_736 = tpu.vector_load %arg9[%get3A_734, %get3A_735] {strides = array<i32>} : memref<200x80xf32, #tpu.memory_space<vmem>>, vector<1x16xf32>,
      %get3A_737 = vector.shape_cast %get3A_736 : vector<1x16xf32> to vector<16xf32>
      %mul3A_738 = arith.mulf %get3A_737, %get3A_661 : vector<16xf32>
      %max3A_739 = arith.maximumf %max3A_732, %mul3A_738 : vector<16xf32>
      %add3A_740 = arith.addf %add3A_711, %max3A_739 : vector<16xf32>
      %get3A_741 = arith.constant 197 : i32
      %get3A_742 = arith.index_cast %get3A_741 : i32 to index
      %get3A_743 = arith.constant 0 : index
      %get3A_744 = tpu.vector_load %arg9[%get3A_742, %get3A_743] {strides = array<i32>} : memref<200x80xf32, #tpu.memory_space<vmem>>, vector<1x16xf32>,
      %get3A_745 = vector.shape_cast %get3A_744 : vector<1x16xf32> to vector<16xf32>
      %mul3A_746 = arith.mulf %get3A_745, %get3A_646 : vector<16xf32>
      %get3A_747 = arith.constant 197 : i32
      %get3A_748 = arith.index_cast %get3A_747 : i32 to index
      %get3A_749 = arith.constant 16 : index
      %get3A_750 = tpu.vector_load %arg9[%get3A_748, %get3A_749] {strides = array<i32>} : memref<200x80xf32, #tpu.memory_space<vmem>>, vector<1x16xf32>,
      %get3A_751 = vector.shape_cast %get3A_750 : vector<1x16xf32> to vector<16xf32>
      %mul3A_752 = arith.mulf %get3A_751, %get3A_651 : vector<16xf32>
      %max3A_753 = arith.maximumf %mul3A_746, %mul3A_752 : vector<16xf32>
      %get3A_754 = arith.constant 197 : i32
      %get3A_755 = arith.index_cast %get3A_754 : i32 to index
      %get3A_756 = arith.constant 32 : index
      %get3A_757 = tpu.vector_load %arg9[%get3A_755, %get3A_756] {strides = array<i32>} : memref<200x80xf32, #tpu.memory_space<vmem>>, vector<1x16xf32>,
      %get3A_758 = vector.shape_cast %get3A_757 : vector<1x16xf32> to vector<16xf32>
      %mul3A_759 = arith.mulf %get3A_758, %get3A_656 : vector<16xf32>
      %max3A_760 = arith.maximumf %max3A_753, %mul3A_759 : vector<16xf32>
      %get3A_761 = arith.constant 197 : i32
      %get3A_762 = arith.index_cast %get3A_761 : i32 to index
      %get3A_763 = arith.constant 48 : index
      %get3A_764 = tpu.vector_load %arg9[%get3A_762, %get3A_763] {strides = array<i32>} : memref<200x80xf32, #tpu.memory_space<vmem>>, vector<1x16xf32>,
      %get3A_765 = vector.shape_cast %get3A_764 : vector<1x16xf32> to vector<16xf32>
      %mul3A_766 = arith.mulf %get3A_765, %get3A_661 : vector<16xf32>
      %max3A_767 = arith.maximumf %max3A_760, %mul3A_766 : vector<16xf32>
      %get3A_768 = arith.constant 197 : i32
      %get3A_769 = arith.index_cast %get3A_768 : i32 to index
      %get3A_770 = arith.constant 64 : index
      %get3A_771 = tpu.vector_load %arg9[%get3A_769, %get3A_770] {strides = array<i32>} : memref<200x80xf32, #tpu.memory_space<vmem>>, vector<1x16xf32>,
      %get3A_772 = vector.shape_cast %get3A_771 : vector<1x16xf32> to vector<16xf32>
      %mul3A_773 = arith.mulf %get3A_772, %get3A_666 : vector<16xf32>
      %max3A_774 = arith.maximumf %max3A_767, %mul3A_773 : vector<16xf32>
      %add3A_775 = arith.addf %add3A_740, %max3A_774 : vector<16xf32>
      %swap3A_776 = arith.index_cast %add3A_510 : i32 to index
      %swap3A_777 = arith.constant 0 : index
      %swap3A_778 = tpu.vector_load %arg11[%swap3A_776, %swap3A_777] {strides = array<i32>} : memref<32x16xf32, #tpu.memory_space<vmem>>, vector<1x16xf32>,
      %swap3A_779 = vector.shape_cast %swap3A_778 : vector<1x16xf32> to vector<16xf32>
      %swap3A_780 = vector.shape_cast %add3A_775 : vector<16xf32> to vector<1x16xf32>
      tpu.vector_store %arg11[%swap3A_776, %swap3A_777], %swap3A_780 {strides = array<i32>} : memref<32x16xf32, #tpu.memory_space<vmem>>, vector<1x16xf32>,
    }
    %scan3A_46 = arith.constant 16 : i32
    %dma_wait3A = arith.constant 31 : i32
    %dma_wait3A_47 = arith.constant 0 : i32
    %dma_wait3A_48 = arith.constant 0 : i32
    %dma_wait3A_49 = tpu.memref_slice %arg7[%dma_wait3A_47, %dma_wait3A_48] : memref<200x80xf32, #tpu.memory_space<vmem>> -> memref<104x80xf32, #tpu.memory_space<vmem>>
    %dma_wait3A_50 = arith.constant 0 : i32
    %dma_wait3A_51 = tpu.memref_slice %arg6[%dma_wait3A, %dma_wait3A_50] : memref<32x200xi32, #tpu.memory_space<vmem>> -> memref<1x104xi32, #tpu.memory_space<vmem>>
    %dma_wait3A_52 = tpu.memref_squeeze %dma_wait3A_51 : memref<1x104xi32, #tpu.memory_space<vmem>> -> memref<104xi32, #tpu.memory_space<vmem>>
    %dma_wait3A_53 = arith.constant 0 : i32
    %dma_wait3A_54 = arith.constant 0 : i32
    %dma_wait3A_55 = tpu.memref_slice %arg3[%dma_wait3A_53, %dma_wait3A_54] : memref<100000x80xf32, #tpu.memory_space<hbm>> -> memref<100000x80xf32, #tpu.memory_space<hbm>>
    tpu.wait_indirect_dma semaphore(%arg12 : memref<!tpu.dma_semaphore, #tpu.memory_space<semaphore_mem>>) src(%dma_wait3A_55 : memref<100000x80xf32, #tpu.memory_space<hbm>>) dst(%dma_wait3A_49 : memref<104x80xf32, #tpu.memory_space<vmem>>)
    %dma_wait3A_56 = arith.constant 31 : i32
    %dma_wait3A_57 = arith.constant 104 : i32
    %dma_wait3A_58 = arith.constant 0 : i32
    %dma_wait3A_59 = tpu.memref_slice %arg7[%dma_wait3A_57, %dma_wait3A_58] : memref<200x80xf32, #tpu.memory_space<vmem>> -> memref<96x80xf32, #tpu.memory_space<vmem>>
    %dma_wait3A_60 = arith.constant 104 : i32
    %dma_wait3A_61 = tpu.memref_slice %arg6[%dma_wait3A_56, %dma_wait3A_60] : memref<32x200xi32, #tpu.memory_space<vmem>> -> memref<1x96xi32, #tpu.memory_space<vmem>>
    %dma_wait3A_62 = tpu.memref_squeeze %dma_wait3A_61 : memref<1x96xi32, #tpu.memory_space<vmem>> -> memref<96xi32, #tpu.memory_space<vmem>>
    %dma_wait3A_63 = arith.constant 0 : i32
    %dma_wait3A_64 = arith.constant 0 : i32
    %dma_wait3A_65 = tpu.memref_slice %arg3[%dma_wait3A_63, %dma_wait3A_64] : memref<100000x80xf32, #tpu.memory_space<hbm>> -> memref<100000x80xf32, #tpu.memory_space<hbm>>
    tpu.wait_indirect_dma semaphore(%arg12 : memref<!tpu.dma_semaphore, #tpu.memory_space<semaphore_mem>>) src(%dma_wait3A_65 : memref<100000x80xf32, #tpu.memory_space<hbm>>) dst(%dma_wait3A_59 : memref<96x80xf32, #tpu.memory_space<vmem>>)
    %dma_wait3A_66 = arith.constant 31 : i32
    %dma_wait3A_67 = arith.constant 0 : i32
    %dma_wait3A_68 = arith.constant 0 : i32
    %dma_wait3A_69 = tpu.memref_slice %arg8[%dma_wait3A_67, %dma_wait3A_68] : memref<200x16xf32, #tpu.memory_space<vmem>> -> memref<104x16xf32, #tpu.memory_space<vmem>>
    %dma_wait3A_70 = arith.constant 0 : i32
    %dma_wait3A_71 = tpu.memref_slice %arg6[%dma_wait3A_66, %dma_wait3A_70] : memref<32x200xi32, #tpu.memory_space<vmem>> -> memref<1x104xi32, #tpu.memory_space<vmem>>
    %dma_wait3A_72 = tpu.memref_squeeze %dma_wait3A_71 : memref<1x104xi32, #tpu.memory_space<vmem>> -> memref<104xi32, #tpu.memory_space<vmem>>
    %dma_wait3A_73 = arith.constant 0 : i32
    %dma_wait3A_74 = arith.constant 0 : i32
    %dma_wait3A_75 = tpu.memref_slice %arg4[%dma_wait3A_73, %dma_wait3A_74] : memref<100000x16xf32, #tpu.memory_space<hbm>> -> memref<100000x16xf32, #tpu.memory_space<hbm>>
    tpu.wait_indirect_dma semaphore(%arg12 : memref<!tpu.dma_semaphore, #tpu.memory_space<semaphore_mem>>) src(%dma_wait3A_75 : memref<100000x16xf32, #tpu.memory_space<hbm>>) dst(%dma_wait3A_69 : memref<104x16xf32, #tpu.memory_space<vmem>>)
    %dma_wait3A_76 = arith.constant 31 : i32
    %dma_wait3A_77 = arith.constant 104 : i32
    %dma_wait3A_78 = arith.constant 0 : i32
    %dma_wait3A_79 = tpu.memref_slice %arg8[%dma_wait3A_77, %dma_wait3A_78] : memref<200x16xf32, #tpu.memory_space<vmem>> -> memref<96x16xf32, #tpu.memory_space<vmem>>
    %dma_wait3A_80 = arith.constant 104 : i32
    %dma_wait3A_81 = tpu.memref_slice %arg6[%dma_wait3A_76, %dma_wait3A_80] : memref<32x200xi32, #tpu.memory_space<vmem>> -> memref<1x96xi32, #tpu.memory_space<vmem>>
    %dma_wait3A_82 = tpu.memref_squeeze %dma_wait3A_81 : memref<1x96xi32, #tpu.memory_space<vmem>> -> memref<96xi32, #tpu.memory_space<vmem>>
    %dma_wait3A_83 = arith.constant 0 : i32
    %dma_wait3A_84 = arith.constant 0 : i32
    %dma_wait3A_85 = tpu.memref_slice %arg4[%dma_wait3A_83, %dma_wait3A_84] : memref<100000x16xf32, #tpu.memory_space<hbm>> -> memref<100000x16xf32, #tpu.memory_space<hbm>>
    tpu.wait_indirect_dma semaphore(%arg12 : memref<!tpu.dma_semaphore, #tpu.memory_space<semaphore_mem>>) src(%dma_wait3A_85 : memref<100000x16xf32, #tpu.memory_space<hbm>>) dst(%dma_wait3A_79 : memref<96x16xf32, #tpu.memory_space<vmem>>)
    "tpu.region"() ({
      %run_scoped3A = tpu.sem_alloc : memref<!tpu.dma_semaphore, #tpu.memory_space<semaphore_mem>>
      %dma_start3A_86 = arith.constant 0 : i32
      %dma_start3A_87 = tpu.memref_slice %arg5[%mul3A_2, %dma_start3A_86] : memref<1024x16xf32, #tpu.memory_space<hbm>> -> memref<32x16xf32, #tpu.memory_space<hbm>>
      %dma_start3A_88 = arith.constant 0 : i32
      %dma_start3A_89 = tpu.memref_slice %arg5[%mul3A_2, %dma_start3A_88] : memref<1024x16xf32, #tpu.memory_space<hbm>> -> memref<32x16xf32, #tpu.memory_space<hbm>>
      tpu.enqueue_dma source(%arg11 : memref<32x16xf32, #tpu.memory_space<vmem>>) target(%dma_start3A_89 : memref<32x16xf32, #tpu.memory_space<hbm>>) target_semaphore(%run_scoped3A : memref<!tpu.dma_semaphore, #tpu.memory_space<semaphore_mem>>)
      %dma_wait3A_90 = arith.constant 0 : i32
      %dma_wait3A_91 = tpu.memref_slice %arg5[%mul3A_2, %dma_wait3A_90] : memref<1024x16xf32, #tpu.memory_space<hbm>> -> memref<32x16xf32, #tpu.memory_space<hbm>>
      %dma_wait3A_92 = arith.constant 0 : i32
      %dma_wait3A_93 = tpu.memref_slice %arg5[%mul3A_2, %dma_wait3A_92] : memref<1024x16xf32, #tpu.memory_space<hbm>> -> memref<32x16xf32, #tpu.memory_space<hbm>>
      tpu.wait_dma2 semaphore(%run_scoped3A : memref<!tpu.dma_semaphore, #tpu.memory_space<semaphore_mem>>) src(%arg11 : memref<32x16xf32, #tpu.memory_space<vmem>>) dst(%dma_wait3A_93 : memref<32x16xf32, #tpu.memory_space<hbm>>)
      tpu.yield
    }) : () -> ()
    return
  }
}

#map = affine_map<(d0, d1) -> (0, 0)>
#map1 = affine_map<(d0, d1) -> (0)>
module attributes {stable_mosaic.version = 14 : i64} {
  func.func @_sc_detile(%arg0: i32, %arg1: i32, %arg2: memref<100000x80xf32, #tpu.memory_space<hbm>>, %arg3: memref<8000000xf32, #tpu.memory_space<hbm>>, %arg4: memref<160x80xf32, #tpu.memory_space<vmem>>, %arg5: memref<12800xf32, #tpu.memory_space<vmem>>, %arg6: memref<!tpu.dma_semaphore, #tpu.memory_space<semaphore_mem>>) attributes {dimension_semantics = [#tpu.dimension_semantics<core_parallel>, #tpu.dimension_semantics<subcore_parallel>], iteration_bounds = array<i64: 2, 16>, scalar_prefetch = 0 : i64, scratch_operands = 3 : i64, tpu.core_type = #tpu.core_type<sc_vector_subcore>, window_params = [{transform_indices = #map}, {transform_indices = #map1}]} {
    %mul3A = arith.constant 2 : i32
    %mul3A_0 = arith.muli %arg1, %mul3A : i32
    %add3A = arith.addi %mul3A_0, %arg0 : i32
    %scan3A = arith.constant 0 : i32
    %scan3A_1 = arith.constant 0 : i32
    %scan3A_2 = arith.constant 20 : i32
    %scan3A_3 = arith.addi %scan3A_1, %scan3A_2 : i32
    %scan3A_4 = arith.constant 1 : i32
    scf.for %scan3A_6 = %scan3A_1 to %scan3A_3 step %scan3A_4  : i32 {
      %mul3A_7 = arith.constant 32 : i32
      %mul3A_8 = arith.muli %mul3A_7, %scan3A_6 : i32
      %add3A_9 = arith.addi %add3A, %mul3A_8 : i32
      %lt3A = arith.constant 625 : i32
      %lt3A_10 = arith.cmpi slt, %add3A_9, %lt3A : i32
      %convert_element_type3A = arith.extui %lt3A_10 : i1 to i32
      %cond3A = arith.constant 0 : i32
      %cond3A_11 = arith.cmpi ne, %convert_element_type3A, %cond3A : i32
      scf.if %cond3A_11 {
        %mul3A_12 = arith.constant 160 : i32
        %mul3A_13 = arith.muli %add3A_9, %mul3A_12 : i32
        %dma_start3A = arith.constant 0 : i32
        %dma_start3A_14 = tpu.memref_slice %arg2[%mul3A_13, %dma_start3A] : memref<100000x80xf32, #tpu.memory_space<hbm>> -> memref<160x80xf32, #tpu.memory_space<hbm>>
        %dma_start3A_15 = arith.constant 0 : i32
        %dma_start3A_16 = tpu.memref_slice %arg2[%mul3A_13, %dma_start3A_15] : memref<100000x80xf32, #tpu.memory_space<hbm>> -> memref<160x80xf32, #tpu.memory_space<hbm>>
        tpu.enqueue_dma source(%dma_start3A_16 : memref<160x80xf32, #tpu.memory_space<hbm>>) target(%arg4 : memref<160x80xf32, #tpu.memory_space<vmem>>) target_semaphore(%arg6 : memref<!tpu.dma_semaphore, #tpu.memory_space<semaphore_mem>>)
        %dma_wait3A = arith.constant 0 : i32
        %dma_wait3A_17 = tpu.memref_slice %arg2[%mul3A_13, %dma_wait3A] : memref<100000x80xf32, #tpu.memory_space<hbm>> -> memref<160x80xf32, #tpu.memory_space<hbm>>
        %dma_wait3A_18 = arith.constant 0 : i32
        %dma_wait3A_19 = tpu.memref_slice %arg2[%mul3A_13, %dma_wait3A_18] : memref<100000x80xf32, #tpu.memory_space<hbm>> -> memref<160x80xf32, #tpu.memory_space<hbm>>
        tpu.wait_dma2 semaphore(%arg6 : memref<!tpu.dma_semaphore, #tpu.memory_space<semaphore_mem>>) src(%dma_wait3A_19 : memref<160x80xf32, #tpu.memory_space<hbm>>) dst(%arg4 : memref<160x80xf32, #tpu.memory_space<vmem>>)
        %scan3A_20 = arith.constant 0 : i32
        %scan3A_21 = arith.constant 0 : i32
        %scan3A_22 = arith.constant 160 : i32
        %scan3A_23 = arith.addi %scan3A_21, %scan3A_22 : i32
        %scan3A_24 = arith.constant 1 : i32
        scf.for %scan3A_34 = %scan3A_21 to %scan3A_23 step %scan3A_24  : i32 {
          %get3A = arith.index_cast %scan3A_34 : i32 to index
          %get3A_35 = arith.constant 0 : index
          %get3A_36 = tpu.vector_load %arg4[%get3A, %get3A_35] {strides = array<i32>} : memref<160x80xf32, #tpu.memory_space<vmem>>, vector<1x16xf32>,
          %get3A_37 = vector.shape_cast %get3A_36 : vector<1x16xf32> to vector<16xf32>
          %mul3A_38 = arith.constant 80 : i32
          %mul3A_39 = arith.muli %scan3A_34, %mul3A_38 : i32
          %add3A_40 = arith.constant 0 : i32
          %add3A_41 = arith.addi %mul3A_39, %add3A_40 : i32
          %swap3A = arith.index_cast %add3A_41 : i32 to index
          %swap3A_42 = tpu.vector_load %arg5[%swap3A] {strides = array<i32>} : memref<12800xf32, #tpu.memory_space<vmem>>, vector<16xf32>,
          %swap3A_43 = vector.shape_cast %swap3A_42 : vector<16xf32> to vector<16xf32>
          %swap3A_44 = vector.shape_cast %get3A_37 : vector<16xf32> to vector<16xf32>
          tpu.vector_store %arg5[%swap3A], %swap3A_44 {strides = array<i32>} : memref<12800xf32, #tpu.memory_space<vmem>>, vector<16xf32>,
          %get3A_45 = arith.index_cast %scan3A_34 : i32 to index
          %get3A_46 = arith.constant 16 : index
          %get3A_47 = tpu.vector_load %arg4[%get3A_45, %get3A_46] {strides = array<i32>} : memref<160x80xf32, #tpu.memory_space<vmem>>, vector<1x16xf32>,
          %get3A_48 = vector.shape_cast %get3A_47 : vector<1x16xf32> to vector<16xf32>
          %mul3A_49 = arith.constant 80 : i32
          %mul3A_50 = arith.muli %scan3A_34, %mul3A_49 : i32
          %add3A_51 = arith.constant 16 : i32
          %add3A_52 = arith.addi %mul3A_50, %add3A_51 : i32
          %swap3A_53 = arith.index_cast %add3A_52 : i32 to index
          %swap3A_54 = tpu.vector_load %arg5[%swap3A_53] {strides = array<i32>} : memref<12800xf32, #tpu.memory_space<vmem>>, vector<16xf32>,
          %swap3A_55 = vector.shape_cast %swap3A_54 : vector<16xf32> to vector<16xf32>
          %swap3A_56 = vector.shape_cast %get3A_48 : vector<16xf32> to vector<16xf32>
          tpu.vector_store %arg5[%swap3A_53], %swap3A_56 {strides = array<i32>} : memref<12800xf32, #tpu.memory_space<vmem>>, vector<16xf32>,
          %get3A_57 = arith.index_cast %scan3A_34 : i32 to index
          %get3A_58 = arith.constant 32 : index
          %get3A_59 = tpu.vector_load %arg4[%get3A_57, %get3A_58] {strides = array<i32>} : memref<160x80xf32, #tpu.memory_space<vmem>>, vector<1x16xf32>,
          %get3A_60 = vector.shape_cast %get3A_59 : vector<1x16xf32> to vector<16xf32>
          %mul3A_61 = arith.constant 80 : i32
          %mul3A_62 = arith.muli %scan3A_34, %mul3A_61 : i32
          %add3A_63 = arith.constant 32 : i32
          %add3A_64 = arith.addi %mul3A_62, %add3A_63 : i32
          %swap3A_65 = arith.index_cast %add3A_64 : i32 to index
          %swap3A_66 = tpu.vector_load %arg5[%swap3A_65] {strides = array<i32>} : memref<12800xf32, #tpu.memory_space<vmem>>, vector<16xf32>,
          %swap3A_67 = vector.shape_cast %swap3A_66 : vector<16xf32> to vector<16xf32>
          %swap3A_68 = vector.shape_cast %get3A_60 : vector<16xf32> to vector<16xf32>
          tpu.vector_store %arg5[%swap3A_65], %swap3A_68 {strides = array<i32>} : memref<12800xf32, #tpu.memory_space<vmem>>, vector<16xf32>,
          %get3A_69 = arith.index_cast %scan3A_34 : i32 to index
          %get3A_70 = arith.constant 48 : index
          %get3A_71 = tpu.vector_load %arg4[%get3A_69, %get3A_70] {strides = array<i32>} : memref<160x80xf32, #tpu.memory_space<vmem>>, vector<1x16xf32>,
          %get3A_72 = vector.shape_cast %get3A_71 : vector<1x16xf32> to vector<16xf32>
          %mul3A_73 = arith.constant 80 : i32
          %mul3A_74 = arith.muli %scan3A_34, %mul3A_73 : i32
          %add3A_75 = arith.constant 48 : i32
          %add3A_76 = arith.addi %mul3A_74, %add3A_75 : i32
          %swap3A_77 = arith.index_cast %add3A_76 : i32 to index
          %swap3A_78 = tpu.vector_load %arg5[%swap3A_77] {strides = array<i32>} : memref<12800xf32, #tpu.memory_space<vmem>>, vector<16xf32>,
          %swap3A_79 = vector.shape_cast %swap3A_78 : vector<16xf32> to vector<16xf32>
          %swap3A_80 = vector.shape_cast %get3A_72 : vector<16xf32> to vector<16xf32>
          tpu.vector_store %arg5[%swap3A_77], %swap3A_80 {strides = array<i32>} : memref<12800xf32, #tpu.memory_space<vmem>>, vector<16xf32>,
          %get3A_81 = arith.index_cast %scan3A_34 : i32 to index
          %get3A_82 = arith.constant 64 : index
          %get3A_83 = tpu.vector_load %arg4[%get3A_81, %get3A_82] {strides = array<i32>} : memref<160x80xf32, #tpu.memory_space<vmem>>, vector<1x16xf32>,
          %get3A_84 = vector.shape_cast %get3A_83 : vector<1x16xf32> to vector<16xf32>
          %mul3A_85 = arith.constant 80 : i32
          %mul3A_86 = arith.muli %scan3A_34, %mul3A_85 : i32
          %add3A_87 = arith.constant 64 : i32
          %add3A_88 = arith.addi %mul3A_86, %add3A_87 : i32
          %swap3A_89 = arith.index_cast %add3A_88 : i32 to index
          %swap3A_90 = tpu.vector_load %arg5[%swap3A_89] {strides = array<i32>} : memref<12800xf32, #tpu.memory_space<vmem>>, vector<16xf32>,
          %swap3A_91 = vector.shape_cast %swap3A_90 : vector<16xf32> to vector<16xf32>
          %swap3A_92 = vector.shape_cast %get3A_84 : vector<16xf32> to vector<16xf32>
          tpu.vector_store %arg5[%swap3A_89], %swap3A_92 {strides = array<i32>} : memref<12800xf32, #tpu.memory_space<vmem>>, vector<16xf32>,
        }
        %scan3A_25 = arith.constant 160 : i32
        %mul3A_26 = arith.constant 160 : i32
        %mul3A_27 = arith.muli %add3A_9, %mul3A_26 : i32
        %mul3A_28 = arith.constant 80 : i32
        %mul3A_29 = arith.muli %mul3A_27, %mul3A_28 : i32
        %dma_start3A_30 = tpu.memref_slice %arg3[%mul3A_29] : memref<8000000xf32, #tpu.memory_space<hbm>> -> memref<12800xf32, #tpu.memory_space<hbm>>
        %dma_start3A_31 = tpu.memref_slice %arg3[%mul3A_29] : memref<8000000xf32, #tpu.memory_space<hbm>> -> memref<12800xf32, #tpu.memory_space<hbm>>
        tpu.enqueue_dma source(%arg5 : memref<12800xf32, #tpu.memory_space<vmem>>) target(%dma_start3A_31 : memref<12800xf32, #tpu.memory_space<hbm>>) target_semaphore(%arg6 : memref<!tpu.dma_semaphore, #tpu.memory_space<semaphore_mem>>)
        %dma_wait3A_32 = tpu.memref_slice %arg3[%mul3A_29] : memref<8000000xf32, #tpu.memory_space<hbm>> -> memref<12800xf32, #tpu.memory_space<hbm>>
        %dma_wait3A_33 = tpu.memref_slice %arg3[%mul3A_29] : memref<8000000xf32, #tpu.memory_space<hbm>> -> memref<12800xf32, #tpu.memory_space<hbm>>
        tpu.wait_dma2 semaphore(%arg6 : memref<!tpu.dma_semaphore, #tpu.memory_space<semaphore_mem>>) src(%arg5 : memref<12800xf32, #tpu.memory_space<vmem>>) dst(%dma_wait3A_33 : memref<12800xf32, #tpu.memory_space<hbm>>)
      } else {
      }
    }
    %scan3A_5 = arith.constant 20 : i32
    return
  }
}

module attributes {stable_mosaic.version = 14 : i64} {
  func.func @_mlp_body(%arg0: memref<1024x16xf32, #tpu.memory_space<vmem>>, %arg1: memref<400x16xf32, #tpu.memory_space<vmem>>, %arg2: memref<1x400xf32, #tpu.memory_space<vmem>>, %arg3: memref<1000x400xf32, #tpu.memory_space<vmem>>, %arg4: memref<1x1000xf32, #tpu.memory_space<vmem>>, %arg5: memref<1024x1000xf32, #tpu.memory_space<vmem>>, %arg6: memref<1024x1000xf32, #tpu.memory_space<vmem>>, %arg7: memref<1024x1xi32, #tpu.memory_space<vmem>>) attributes {dimension_semantics = [], scalar_prefetch = 0 : i64, scratch_operands = 0 : i64, tpu.core_type = #tpu.core_type<tc>} {
    %get3A = arith.constant 0 : index
    %get3A_0 = arith.constant 0 : index
    %get3A_1 = vector.load %arg0[%get3A, %get3A_0] : memref<1024x16xf32, #tpu.memory_space<vmem>>, vector<1024x16xf32>
    %get3A_2 = arith.constant 0 : index
    %get3A_3 = arith.constant 0 : index
    %get3A_4 = vector.load %arg1[%get3A_2, %get3A_3] : memref<400x16xf32, #tpu.memory_space<vmem>>, vector<400x16xf32>
    %dot_general3A = arith.constant dense<0.000000e+00> : vector<1024x400xf32>
    %dot_general3A_5 = tpu.matmul %get3A_1, %get3A_4, %dot_general3A {dimension_numbers = #tpu.dot_dimension_numbers<[1], [1], [0], [0], [0, 0, 1, 0], [], []>, transpose_lhs_hint = false} : vector<1024x16xf32>, vector<400x16xf32>, vector<1024x400xf32> -> vector<1024x400xf32>
    %get3A_6 = arith.constant 0 : index
    %get3A_7 = arith.constant 0 : index
    %get3A_8 = vector.load %arg2[%get3A_6, %get3A_7] : memref<1x400xf32, #tpu.memory_space<vmem>>, vector<1x400xf32>
    %add3A = vector.broadcast %get3A_8 : vector<1x400xf32> to vector<1024x400xf32>
    %add3A_9 = arith.addf %dot_general3A_5, %add3A : vector<1024x400xf32>
    %max3A = arith.constant 0.000000e+00 : f32
    %max3A_10 = vector.broadcast %max3A : f32 to vector<1024x400xf32>
    %max3A_11 = arith.maximumf %add3A_9, %max3A_10 : vector<1024x400xf32>
    %get3A_12 = arith.constant 0 : index
    %get3A_13 = arith.constant 0 : index
    %get3A_14 = vector.load %arg3[%get3A_12, %get3A_13] : memref<1000x400xf32, #tpu.memory_space<vmem>>, vector<1000x400xf32>
    %dot_general3A_15 = arith.constant dense<0.000000e+00> : vector<1024x1000xf32>
    %dot_general3A_16 = tpu.matmul %max3A_11, %get3A_14, %dot_general3A_15 {dimension_numbers = #tpu.dot_dimension_numbers<[1], [1], [0], [0], [0, 0, 1, 0], [], []>, transpose_lhs_hint = false} : vector<1024x400xf32>, vector<1000x400xf32>, vector<1024x1000xf32> -> vector<1024x1000xf32>
    %get3A_17 = arith.constant 0 : index
    %get3A_18 = arith.constant 0 : index
    %get3A_19 = vector.load %arg4[%get3A_17, %get3A_18] : memref<1x1000xf32, #tpu.memory_space<vmem>>, vector<1x1000xf32>
    %add3A_20 = vector.broadcast %get3A_19 : vector<1x1000xf32> to vector<1024x1000xf32>
    %add3A_21 = arith.addf %dot_general3A_16, %add3A_20 : vector<1024x1000xf32>
    %swap3A = arith.constant 0 : index
    %swap3A_22 = arith.constant 0 : index
    %swap3A_23 = vector.load %arg5[%swap3A, %swap3A_22] : memref<1024x1000xf32, #tpu.memory_space<vmem>>, vector<1024x1000xf32>
    tpu.vector_store %arg5[%swap3A, %swap3A_22], %add3A_21 {strides = array<i32>} : memref<1024x1000xf32, #tpu.memory_space<vmem>>, vector<1024x1000xf32>,
    %reduce_max3A = arith.constant dense<0xFF800000> : vector<1024xf32>
    %reduce_max3A_24 = vector.multi_reduction <maximumf>, %add3A_21, %reduce_max3A [1] : vector<1024x1000xf32> to vector<1024xf32>
    %broadcast_in_dim3A = vector.shape_cast %reduce_max3A_24 : vector<1024xf32> to vector<1024x1xf32>
    %sub3A = vector.broadcast %broadcast_in_dim3A : vector<1024x1xf32> to vector<1024x1000xf32>
    %sub3A_25 = arith.subf %add3A_21, %sub3A : vector<1024x1000xf32>
    %exp3A = math.exp %sub3A_25 : vector<1024x1000xf32>
    %reduce_sum3A = arith.constant dense<0.000000e+00> : vector<1024xf32>
    %reduce_sum3A_26 = vector.multi_reduction <add>, %exp3A, %reduce_sum3A [1] : vector<1024x1000xf32> to vector<1024xf32>
    %broadcast_in_dim3A_27 = vector.shape_cast %reduce_sum3A_26 : vector<1024xf32> to vector<1024x1xf32>
    %div3A = vector.broadcast %broadcast_in_dim3A_27 : vector<1024x1xf32> to vector<1024x1000xf32>
    %div3A_28 = arith.divf %exp3A, %div3A : vector<1024x1000xf32>
    %swap3A_29 = arith.constant 0 : index
    %swap3A_30 = arith.constant 0 : index
    %swap3A_31 = vector.load %arg6[%swap3A_29, %swap3A_30] : memref<1024x1000xf32, #tpu.memory_space<vmem>>, vector<1024x1000xf32>
    tpu.vector_store %arg6[%swap3A_29, %swap3A_30], %div3A_28 {strides = array<i32>} : memref<1024x1000xf32, #tpu.memory_space<vmem>>, vector<1024x1000xf32>,
    %iota3A = tpu.iota {dimensions = array<i32: 1>} : vector<1024x1000xi32>
    %eq3A = vector.broadcast %broadcast_in_dim3A : vector<1024x1xf32> to vector<1024x1000xf32>
    %eq3A_32 = arith.cmpf oeq, %add3A_21, %eq3A : vector<1024x1000xf32>
    %jit3A = arith.constant 1000 : i32
    %broadcast_in_dim3A_33 = vector.broadcast %jit3A : i32 to vector<1024x1000xi32>
    %select_n3A = arith.select %eq3A_32, %iota3A, %broadcast_in_dim3A_33 : vector<1024x1000xi1>, vector<1024x1000xi32>
    %reduce_min3A = arith.constant dense<2147483647> : vector<1024xi32>
    %reduce_min3A_34 = vector.multi_reduction <minsi>, %select_n3A, %reduce_min3A [1] : vector<1024x1000xi32> to vector<1024xi32>
    %broadcast_in_dim3A_35 = vector.shape_cast %reduce_min3A_34 : vector<1024xi32> to vector<1024x1xi32>
    %swap3A_36 = arith.constant 0 : index
    %swap3A_37 = arith.constant 0 : index
    %swap3A_38 = vector.load %arg7[%swap3A_36, %swap3A_37] : memref<1024x1xi32, #tpu.memory_space<vmem>>, vector<1024x1xi32>
    tpu.vector_store %arg7[%swap3A_36, %swap3A_37], %broadcast_in_dim3A_35 {strides = array<i32>} : memref<1024x1xi32, #tpu.memory_space<vmem>>, vector<1024x1xi32>,
    return
  }
}

</mosaic_0001>

<sc_bundles>
// kernel: kernel.5.cloned.1.call-start
scs
__scs_entry_jumppad:
0x0: {  	(pc) =	sbr.rel $0x88, $3  }
0x1: {  	(tag) =	ssettag $0x0;
	lr =	simm.s32 $0x1  }
0x2: {  	[smem:$0x3F9A] =	sst lr;
	_ =	strace $0xD0000000  }
0x3: {  	_ = 	snop  }
0x4: {  	_ = 	snop  }
0x5: {  	_ = 	snop  }
0x6: {  	_ = 	snop  }
0x7: {  	_ = 	snop  }
__scs_overlays_trampoline_lowered:
0x8: {  	[smem:$0x3FA9] =	sst s0  }
0x9: {  	[smem:$0x3FAA] =	sst s1  }
0xa: {  	[smem:$0x3FAB] =	sst s2  }
0xb: {  	[smem:$0x3FAC] =	sst s3  }
0xc: {  	[smem:$0x3FAD] =	sst s4  }
0xd: {  	[smem:$0x3FAE] =	sst s5  }
0xe: {  	[smem:$0x3FAF] =	sst s6  }
0xf: {  	[smem:$0x3FB0] =	sst s7  }
0x10: {  	[smem:$0x3FB1] =	sst s8  }
0x11: {  	[smem:$0x3FB2] =	sst s9;
	s0 =	simm.s32 @!p0 $0x0  }
0x12: {  	s1 =	sld [smem:$0x3F98];
	s0 =	simm.s32 @p0 $0x1  }
0x13: {  	[smem:$0x3FB3] =	sst s0;
	s0 =	simm.s32 @!p1 $0x0  }
0x14: {  	s2 =	sld [smem:$0x3F97];
	s0 =	simm.s32 @p1 $0x1  }
0x15: {  	[smem:$0x3FB4] =	sst s0;
	s0 =	simm.s32 @!p2 $0x0  }
0x16: {  	s3 =	sld [smem:$0x3FDB];
	s0 =	simm.s32 @p2 $0x1  }
0x17: {  	s4 =	simm.s32 $0x1BF5;
	[smem:$0x3FB6] =	sst s0  }
0x18: {  	s0 =	sld [smem:$0x3F99];
	_ =	swait.ge [sflag:s4], $0x0  }
0x19: {  	s7 =	sld [smem:$0x3F9A]  }
0x1a: {  	s8 =	sadd.s32 $0xFFFFE003, lr  }
0x1b: {  	s9 =	sadd.s32 $0xFFFFFEF7, lr;
	s5 =	simm.s32 $0xFFFFFFFF;
	p2 =	slt.u32 s8, $0xFFFFF086  }
0x1c: {  	p1 =	slt.u32 s9, $0xF7A;
	s5 =	simm.s32 @!p2 $0x0  }
0x1d: {  	s5 =	simm.s32 @p1 $0x1;
	p0 =	seq.s32 s7, s2  }
0x1e: {  	s7 =	smul.u32 @!p0 $0xF7A, s2;
	p2 =	seq.s32 @!p0 s5, $0x0  }
0x1f: {  	s9 =	smul.u32 $0xF7A, s1;
	s8 =	simm.s32 @!p0 $0x1BF5;
	p2 =	por !p2, p0  }
0x20: {  	[sflag:s8] =	ssyncset.s32 @!p0 $0xFFFFF086;
	s6 =	sadd.s32 @!p0 s3, s7;
	s7 =	simm.s32 @!p0 $0x108  }
0x21: {  	s3 =	sadd.s32 s3, s9;
	s6 =	sadd.s32 @!p0 $0x88, s6;
	s7 =	simm.s32 @p2 $0x1082  }
0x22: {  	[simem:s7], [sflag:s8] =	dma.local @!p0 [hbm:s6], $0xF7A  }
0x23: {  	s9 =	sor.u32 $0xD0000000, s2;
	s6 =	simm.s32 $0x108;
	_ =	swait.ge @!p0 [sflag:s8], $0x0  }
0x24: {  	s3 =	sadd.s32 $0x88, s3;
	s6 =	simm.s32 @!p1 $0x1082;
	[sflag:s4] =	ssyncset.s32 $0xFFFFF086  }
0x25: {  	[simem:s6], [sflag:s4] =	dma.local [hbm:s3], $0xF7A  }
0x26: {  	[smem:$0x3F9A] =	sst s1;
	(tag) =	ssettag s2;
	_ =	strace s9  }
0x27: {  	s1 =	sld [smem:$0x3FAA]  }
0x28: {  	s2 =	sld [smem:$0x3FAB]  }
0x29: {  	s4 =	sld [smem:$0x3FAD]  }
0x2a: {  	p0 =	seq.s32 s5, $0x0;
	s5 =	sld [smem:$0x3FAE]  }
0x2b: {  	s6 =	sld [smem:$0x3FAF]  }
0x2c: {  	s7 =	sld [smem:$0x3FB0]  }
0x2d: {  	s3 =	simm.s32 $0x108;
	s8 =	sld [smem:$0x3FB1]  }
0x2e: {  	s3 =	simm.s32 @!p0 $0x1082;
	s9 =	sld [smem:$0x3FB2]  }
0x2f: {  	lr =	sadd.s32 s0, s3;
	s0 =	sld [smem:$0x3FA9]  }
0x30: {  	s3 =	sld [smem:$0x3FAC]  }
0x31: {  	[smem:$0x3FB5] =	sst s10  }
0x32: {  	s10 =	sld [smem:$0x3FB3];
	_ =	sdelay $0x3  }
0x33: {  	p0 =	seq.s32 s10, $0x1;
	s10 =	sld [smem:$0x3FB5];
	_ =	sdelay $0x3  }
0x34: {  	[smem:$0x3FB5] =	sst s10  }
0x35: {  	s10 =	sld [smem:$0x3FB4];
	_ =	sdelay $0x3  }
0x36: {  	p1 =	seq.s32 s10, $0x1;
	s10 =	sld [smem:$0x3FB5];
	_ =	sdelay $0x3  }
0x37: {  	[smem:$0x3FB5] =	sst s10  }
0x38: {  	s10 =	sld [smem:$0x3FB6]  }
0x39: {  	_ = 	snop;
	(pc) =	sbr.ind lr, $3  }
0x3a: {  	_ = 	snop  }
0x3b: {  	_ = 	snop  }
0x3c: {  	p2 =	seq.s32 s10, $0x1;
	s10 =	sld [smem:$0x3FB5]  }
0x3d: {  	_ =	shalt  }
0x3e: {  	_ =	shalt  }
0x3f: {  	_ =	shalt  }
0x40: {  	_ =	shalt  }
0x41: {  	_ =	shalt  }
0x42: {  	_ =	shalt  }
0x43: {  	_ =	shalt  }
0x44: {  	_ =	shalt  }
0x45: {  	_ =	shalt  }
0x46: {  	_ =	shalt  }
0x47: {  	_ =	shalt  }
0x48: {  	_ =	shalt  }
0x49: {  	_ =	shalt  }
0x4a: {  	_ =	shalt  }
0x4b: {  	_ =	shalt  }
0x4c: {  	_ =	shalt  }
0x4d: {  	_ =	shalt  }
0x4e: {  	_ =	shalt  }
0x4f: {  	_ =	shalt  }
0x50: {  	_ =	shalt  }
0x51: {  	_ =	shalt  }
0x52: {  	_ =	shalt  }
0x53: {  	_ =	shalt  }
0x54: {  	_ =	shalt  }
0x55: {  	_ =	shalt  }
0x56: {  	_ =	shalt  }
0x57: {  	_ =	shalt  }
0x58: {  	_ =	shalt  }
0x59: {  	_ =	shalt  }
0x5a: {  	_ =	shalt  }
0x5b: {  	_ =	shalt  }
0x5c: {  	_ =	shalt  }
0x5d: {  	_ =	shalt  }
0x5e: {  	_ =	shalt  }
0x5f: {  	_ =	shalt  }
0x60: {  	_ =	shalt  }
0x61: {  	_ =	shalt  }
0x62: {  	_ =	shalt  }
0x63: {  	_ =	shalt  }
0x64: {  	_ =	shalt  }
0x65: {  	_ =	shalt  }
0x66: {  	_ =	shalt  }
0x67: {  	_ =	shalt  }
0x68: {  	_ =	shalt  }
0x69: {  	_ =	shalt  }
0x6a: {  	_ =	shalt  }
0x6b: {  	_ =	shalt  }
0x6c: {  	_ =	shalt  }
0x6d: {  	_ =	shalt  }
0x6e: {  	_ =	shalt  }
0x6f: {  	_ =	shalt  }
0x70: {  	_ =	shalt  }
0x71: {  	_ =	shalt  }
0x72: {  	_ =	shalt  }
0x73: {  	_ =	shalt  }
0x74: {  	_ =	shalt  }
0x75: {  	_ =	shalt  }
0x76: {  	_ =	shalt  }
0x77: {  	_ =	shalt  }
0x78: {  	_ =	shalt  }
0x79: {  	_ =	shalt  }
0x7a: {  	_ =	shalt  }
0x7b: {  	_ =	shalt  }
0x7c: {  	_ =	shalt  }
0x7d: {  	_ =	shalt  }
0x7e: {  	_ =	shalt  }
0x7f: {  	_ =	shalt  }
0x80: {  	_ =	shalt  }
0x81: {  	_ =	shalt  }
0x82: {  	_ =	shalt  }
0x83: {  	_ =	shalt  }
0x84: {  	_ =	shalt  }
0x85: {  	_ =	shalt  }
0x86: {  	_ =	shalt  }
0x87: {  	_ =	shalt  }
.Lfunc_end0:
.L_simem_size_0:
called_computation_lowered:
.L_overlay_start_0:
0x88: {  	s2 =	sld [smem:$0x3FD9]  }
0x89: {  	s3 =	sld [smem:$0x3FFE];
	_ =	sdelay $0x1  }
0x8a: {  	s1 =	srdreg.scid  }
0x8b: {  	s0 =	sand.u32 $0x1, s1  }
0x8c: {  	s16 =	sshll.u32 s0, $0xA;
	s2 =	sadd.s32 s3, s2  }
0x8d: {  	s2 =	sadd.s32 s2, s16  }
0x8e: {  	[smem:$0x3FC1] =	sst s2  }
0x8f: {  	_ = 	snop  }
0x90: {  	(tm) =	ssettm $0x1  }
0x91: {  	s17 =	sld [smem:$0x3FFB];
	_ =	sdelay $0x3  }
0x92: {  	_ =	strace s17  }
0x93: {  	s2 =	sld [smem:$0x3FFC];
	_ =	sdelay $0x3  }
0x94: {  	_ =	strace s2  }
0x95: {  	s2 =	sld [smem:$0x3FFD];
	_ =	sdelay $0x3  }
0x96: {  	_ =	strace s2  }
0x97: {  	_ =	strace $0x8FFFFFFF  }
0x98: {  	s18 =	sld [smem:$0x3FDB];
	_ =	sdelay $0x1  }
0x99: {  	s19 =	simm.s32 $_scs_section_size  }
0x9a: {  	s4 =	simm.s32 $_size__tile_overlayer_lowered;
	s5 =	simm.s32 $_tile_overlayer_lowered  }
0x9b: {  	s22 =	simm.s32 $0x1BFF;
	s21 =	sshll.u32 s5, $0x1;
	s2 =	sadd.s32 s19, s18  }
0x9c: {  	s6 =	simm.s32 $0x0;
	s20 =	sshll.u32 s4, $0x1;
	s4 =	sadd.s32 s21, s2  }
0x9d: {  	[timem:s6], [sflag:s22] =	dma.local [hbm:s4], s20  }
0x9e: {  	_ =	swait.ge [sflag:s22], s20  }
0x9f: {  	s3 =	ssub.s32 $0x0, s20;
	[sflag:s22] =	ssyncset.done $0x0  }
0xa0: {  	[sflag:s22] =	ssyncadd.s32 s3;
	_ =	sdelay $0x1  }
0xa1: {  	s23 =	simm.s32 $0x1B8B  }
0xa2: {  	_ =	swait.ge [sflag:s23], $0x1  }
0xa3: {  	[sflag:s23] =	ssyncset.done $0x0  }
0xa4: {  	s25 =	simm.s32 $0x1B8E;
	s24 =	sld [smem:$0x3FFE];
	[sflag:s23] =	ssyncadd.s32 $0xFFFFFFFF  }
0xa5: {  	s26 =	simm.s32 $execute0_lowered;
	[smem:$0x3FD2] =	sst s25  }
0xa6: {  	s4 =	sshll.u32 s26, $0x1;
	_ =	strace $0x80000046;
	[dreg:$0x1] =	wrdreg $0xFFFFFFFF  }
0xa7: {  	s28 =	simm.s32 $_size_execute0_lowered;
	s2 =	sadd.s32 s2, s4;
	[dreg:$0x0] =	wrdreg $0x0  }
0xa8: {  	s4 =	sshll.u32 s28, $0x1;
	[dreg:$0x2] =	wrdreg s2  }
0xa9: {  	[dreg:$0x3] =	wrdreg s4  }
0xaa: {  	[dreg:$0x4] =	wrdreg $0xC0  }
0xab: {  	_ =	task [dreg:s6], $0x5FFFF  }
0xac: {  	[dreg:$0x1] =	wrdreg $0xFFFFFFFF  }
0xad: {  	[dreg:$0x0] =	wrdreg $0x60  }
0xae: {  	[dreg:$0x2] =	wrdreg s24  }
0xaf: {  	[dreg:$0x3] =	wrdreg $0x9  }
0xb0: {  	_ =	task.clear_ibuf [dreg:s6], $0x4FFFF;
	_ =	strace $0x90000046  }
0xb1: {  	s29 =	simm.s32 $0x9;
	_ =	strace $0x80000048  }
0xb2: {  	_ =	swait.ge [sflag:s29], $0x1  }
0xb3: {  	[sflag:s29] =	ssyncadd.s32 $0xFFFFFFFF  }
0xb4: {  	_ =	strace $0x90000048  }
0xb5: {  	_ =	sfence  }
0xb6: {  	s30 =	sld [smem:$0x0];
	_ =	sdelay $0x2  }
0xb7: {  	s31 =	sshll.u32 s1, $0xD;
	s1 =	sshrl.u32 s1, $0x2  }
0xb8: {  	s3 =	sand.u32 $0x4000, s31;
	s1 =	sadd.s32 s1, s30  }
0xb9: {  	s0 =	sor.u32 s3, s0;
	s1 =	sshll.u32 s1, $0x11  }
0xba: {  	s0 =	sor.u32 s1, s0  }
0xbb: {  	s0 =	sadd.s32 $0x8F2B, s0  }
0xbc: {  	[sflag:s0] =	ssyncadd.remote.s32 $0x1  }
0xbd: {  	_ =	sfence.sel $0xFFFF  }
0xbe: {  	[dreg:$0x0] =	wrdreg $0xFFFFFFFF;
	(pc) =	sbr.abs _section_cstart, $3  }
0xbf: {  	[dreg:$0x1] =	wrdreg $0xFFFFFFFF  }
0xc0: {  	_ =	task.clear_ibuf [dreg:s6], $0x2FFFF;
	_ =	strace $0x9FFFFFFF  }
0xc1: {  	(tm) =	ssettm $0x7FFFFFFF  }
tec
execute0_lowered:
.L_overlay_start_1:
0x0: {  	(tag) =	ssettag $0x1  }
0x1: {  	s5 =	rddreg [dreg:$0x0]  }
0x2: {  	s2 =	srdreg.scid;
	s0 =	rddreg [dreg:$0x1];
	s1 =	simm.s32 $0x0  }
.Ltmp0:
0x3: {  	s3 =	stileid.u32;
	s2 =	sand.u32 $0x1, s2;
	(pc) =	sbr.rel .LBB2_1-.Ltmp0, $4  }
0x4: {  	s8 =	simm.s32 $0x1;
	s9 =	simm.s32 $0x5000;
	s6 =	ssub.s32 $0x2, s2  }
0x5: {  	s10 =	simm.s32 $0x0;
	[smem:$0x7FF] =	sst s1;
	s7 =	sshrl.u32 s6, $0x1  }
0x6: {  	s4 =	sadd.s32 $0x1800, s5;
	s5 =	sadd.s32 $0x188200, s5;
	s7 =	ssub.s32 s6, s7  }
0x7: {  	_ =	strace $0x80000047;
	s6 =	sshll.u32 s3, $0x1;
	s7 =	smax.u32 s7, $0x1  }
.LBB2_7:
0x8: {  	s10 =	sadd.s32 $0x1, s10  }
0x9: {  	p0 =	sne.s32 s10, s7  }
.Ltmp1:
0xa: {  	_ = 	snop;
	(pc) =	sbr.rel @!p0 .LBB2_8-.Ltmp1, $1  }
0xb: {  	_ =	sdelay $0x3  }
.LBB2_1:
.Ltmp2:
0xc: {  	(pc) =	sbr.rel .LBB2_2-.Ltmp2, $2  }
0xd: {  	_ =	sdelay $0x2  }
0xe: {  	s11 =	simm.s32 $0x0  }
.LBB2_6:
0xf: {  	s11 =	sadd.s32 $0x1, s11  }
0x10: {  	p0 =	sne.s32 s11, $0x14  }
.Ltmp3:
0x11: {  	_ = 	snop;
	(pc) =	sbr.rel @!p0 .LBB2_7-.Ltmp3, $1  }
0x12: {  	_ =	sdelay $0x3  }
.LBB2_2:
0x13: {  	s12 =	sshll.u32 s11, $0x5  }
0x14: {  	s12 =	sor.u32 s12, s6  }
0x15: {  	s12 =	sor.u32 s2, s12  }
0x16: {  	p0 =	sgt.u32 s12, $0x270  }
.Ltmp4:
0x17: {  	_ = 	snop;
	(pc) =	sbr.rel @p0 .LBB2_6-.Ltmp4, $1  }
0x18: {  	_ =	sdelay $0x3  }
0x19: {  	s13 =	smul.u32 $0xA00, s12;
	_ =	sdelay $0x1  }
0x1a: {  	s14 =	simm.s32 $0x0;
	s13 =	sadd.s32 s4, s13  }
0x1b: {  	[tilespmem:s14], [sflag:$0x1] =	stream.linear.gather [hbm4b:s13+s14], $0x5000, $0x38;
	[tilespmem:$0x8200] =	vst v63  }
0x1c: {  	_ =	swait.ge [sflag:s8], $0x5000  }
0x1d: {  	[sflag:s8] =	ssyncset.done $0x0  }
0x1e: {  	s31 =	simm.s32 $0x0;
	[sflag:s8] =	ssyncadd.s32 $0xFFFFB000  }
0x1f: {  	v0 =	vld [tilespmem:s31+$0x0];
	_ =	sdelay $0x3  }
0x20: {  	s13 =	simm.s32 $0x5020  }
0x21: {  	[tilespmem:s13+$0xFFFFFFE0] =	vst v0  }
0x22: {  	v0 =	vld [tilespmem:s31+$0x10];
	_ =	sdelay $0x4  }
0x23: {  	[tilespmem:s13+$0xFFFFFFF0] =	vst v0  }
0x24: {  	v0 =	vld [tilespmem:s31+$0x20];
	_ =	sdelay $0x4  }
0x25: {  	[tilespmem:s13+$0x0] =	vst v0  }
0x26: {  	v0 =	vld [tilespmem:s31+$0x30];
	_ =	sdelay $0x4  }
0x27: {  	[tilespmem:s13+$0x10] =	vst v0  }
0x28: {  	v0 =	vld [tilespmem:s31+$0x40];
	_ =	sdelay $0x4  }
0x29: {  	s15 =	simm.s32 $0x400;
	s14 =	simm.s32 $0x80;
	[tilespmem:s13+$0x20] =	vst v0  }
.LBB2_4:
0x2a: {  	p0 =	sne.s32 s15, $0x13E00;
	v0 =	vld [tilespmem:s14+$0x0];
	_ =	sdelay $0x3  }
0x2b: {  	s13 =	sadd.s32 $0x50, s13  }
0x2c: {  	[tilespmem:s13+$0xFFFFFFE0] =	vst v0  }
0x2d: {  	v0 =	vld [tilespmem:s14+$0x10];
	_ =	sdelay $0x4  }
0x2e: {  	[tilespmem:s13+$0xFFFFFFF0] =	vst v0  }
0x2f: {  	v0 =	vld [tilespmem:s14+$0x20];
	_ =	sdelay $0x4  }
0x30: {  	[tilespmem:s13+$0x0] =	vst v0  }
0x31: {  	v0 =	vld [tilespmem:s14+$0x30];
	_ =	sdelay $0x4  }
0x32: {  	[tilespmem:s13+$0x10] =	vst v0  }
0x33: {  	v0 =	vld [tilespmem:s14+$0x40]  }
.Ltmp5:
0x34: {  	(pc) =	sbr.rel @p0 .LBB2_4-.Ltmp5, $2  }
0x35: {  	_ =	sdelay $0x2  }
0x36: {  	s14 =	sshra.s32 s15, $0x2;
	s15 =	sadd.s32 $0x200, s15;
	[tilespmem:s13+$0x20] =	vst v0  }
0x37: {  	v0 =	vld [tilespmem:s14+$0x0];
	_ =	sdelay $0x3  }
0x38: {  	s13 =	sadd.s32 $0x50, s13  }
0x39: {  	[tilespmem:s13+$0xFFFFFFE0] =	vst v0  }
0x3a: {  	v0 =	vld [tilespmem:s14+$0x10];
	_ =	sdelay $0x4  }
0x3b: {  	[tilespmem:s13+$0xFFFFFFF0] =	vst v0  }
0x3c: {  	v0 =	vld [tilespmem:s14+$0x20];
	_ =	sdelay $0x4  }
0x3d: {  	[tilespmem:s13+$0x0] =	vst v0  }
0x3e: {  	v0 =	vld [tilespmem:s14+$0x30];
	_ =	sdelay $0x4  }
0x3f: {  	[tilespmem:s13+$0x10] =	vst v0  }
0x40: {  	v0 =	vld [tilespmem:s14+$0x40];
	_ =	sdelay $0x2  }
0x41: {  	s12 =	smul.u32 $0x640, s12;
	_ =	sdelay $0x1  }
.Ltmp6:
0x42: {  	s12 =	sadd.s32 s5, s12;
	[tilespmem:s13+$0x20] =	vst v0;
	(pc) =	sbr.rel .LBB2_6-.Ltmp6, $4  }
0x43: {  	[hbm4b:s12+s1] =	stream.linear.scatter [tilespmem:s9], [sflag:$0x1], $0x3200, $0x38;
	[tilespmem:$0x8200] =	vst v63  }
0x44: {  	_ =	swait.ge [sflag:s8], $0x3200  }
0x45: {  	[sflag:s8] =	ssyncset.done $0x0  }
0x46: {  	[sflag:s8] =	ssyncadd.s32 $0xFFFFCE00  }
.LBB2_8:
0x47: {  	_ =	sfence.sel $0x180000  }
0x48: {  	[bflag:$0x0] =	sbarrier.arrive $0xFFFF  }
0x49: {  	p0 =	sne.s32 s3, $0x0;
	_ =	strace $0x90000047  }
0x4a: {  	s0 =	sadd.s32 @!p0 $0x100000, s0;
	[bflag:$0x2] =	sbarrier.arrive $0xFFFF  }
0x4b: {  	[sflag:s0] =	ssyncadd.tile.s32 @!p0 $0x1;
	_ =	shalt  }
.Lfunc_end2:
_tile_overlayer_lowered:
.L_overlay_start_2:
0x4c: {  	(tag) =	ssettag $0x2  }
0x4d: {  	s0 =	rddreg [dreg:$0x0];
	s2 =	stileid.u32  }
0x4e: {  	s1 =	rddreg [dreg:$0x1];
	p0 =	sne.s32 s2, $0x0  }
0x4f: {  	s3 =	rddreg [dreg:$0x2];
	[bflag:$0x3] =	sbarrier.arrive $0xFFFF;
	s2 =	simm.s32 @!p0 $0x1C02  }
0x50: {  	[timem:s3], [sflag:s2] =	dma.local @!p0 [hbm:s0], s1  }
0x51: {  	s0 =	simm.s32 @!p0 $0x2  }
0x52: {  	_ =	swait.ge @!p0 [sflag:s0], s1  }
0x53: {  	s1 =	ssub.s32 @!p0 $0x0, s1;
	[sflag:s0] =	ssyncset.done @!p0 $0x0  }
0x54: {  	[sflag:s0] =	ssyncadd.s32 @!p0 s1  }
0x55: {  	[bflag:$0x3] =	sbarrier.arrive $0xFFFF  }
0x56: {  	_ =	shalt  }

// kernel: kernel.8.cloned.1.call-start
scs
__scs_entry_jumppad:
0x0: {  	(pc) =	sbr.rel $0x88, $3  }
0x1: {  	(tag) =	ssettag $0x0;
	lr =	simm.s32 $0x1  }
0x2: {  	[smem:$0x3F9A] =	sst lr;
	_ =	strace $0xD0000000  }
0x3: {  	_ = 	snop  }
0x4: {  	_ = 	snop  }
0x5: {  	_ = 	snop  }
0x6: {  	_ = 	snop  }
0x7: {  	_ = 	snop  }
__scs_overlays_trampoline_lowered:
0x8: {  	[smem:$0x3FA9] =	sst s0  }
0x9: {  	[smem:$0x3FAA] =	sst s1  }
0xa: {  	[smem:$0x3FAB] =	sst s2  }
0xb: {  	[smem:$0x3FAC] =	sst s3  }
0xc: {  	[smem:$0x3FAD] =	sst s4  }
0xd: {  	[smem:$0x3FAE] =	sst s5  }
0xe: {  	[smem:$0x3FAF] =	sst s6  }
0xf: {  	[smem:$0x3FB0] =	sst s7  }
0x10: {  	[smem:$0x3FB1] =	sst s8  }
0x11: {  	[smem:$0x3FB2] =	sst s9;
	s0 =	simm.s32 @!p0 $0x0  }
0x12: {  	s1 =	sld [smem:$0x3F98];
	s0 =	simm.s32 @p0 $0x1  }
0x13: {  	[smem:$0x3FB3] =	sst s0;
	s0 =	simm.s32 @!p1 $0x0  }
0x14: {  	s2 =	sld [smem:$0x3F97];
	s0 =	simm.s32 @p1 $0x1  }
0x15: {  	[smem:$0x3FB4] =	sst s0;
	s0 =	simm.s32 @!p2 $0x0  }
0x16: {  	s3 =	sld [smem:$0x3FDB];
	s0 =	simm.s32 @p2 $0x1  }
0x17: {  	s4 =	simm.s32 $0x1BF5;
	[smem:$0x3FB6] =	sst s0  }
0x18: {  	s0 =	sld [smem:$0x3F99];
	_ =	swait.ge [sflag:s4], $0x0  }
0x19: {  	s7 =	sld [smem:$0x3F9A]  }
0x1a: {  	s8 =	sadd.s32 $0xFFFFE003, lr  }
0x1b: {  	s9 =	sadd.s32 $0xFFFFFEF7, lr;
	s5 =	simm.s32 $0xFFFFFFFF;
	p2 =	slt.u32 s8, $0xFFFFF086  }
0x1c: {  	p1 =	slt.u32 s9, $0xF7A;
	s5 =	simm.s32 @!p2 $0x0  }
0x1d: {  	s5 =	simm.s32 @p1 $0x1;
	p0 =	seq.s32 s7, s2  }
0x1e: {  	s7 =	smul.u32 @!p0 $0xF7A, s2;
	p2 =	seq.s32 @!p0 s5, $0x0  }
0x1f: {  	s9 =	smul.u32 $0xF7A, s1;
	s8 =	simm.s32 @!p0 $0x1BF5;
	p2 =	por !p2, p0  }
0x20: {  	[sflag:s8] =	ssyncset.s32 @!p0 $0xFFFFF086;
	s6 =	sadd.s32 @!p0 s3, s7;
	s7 =	simm.s32 @!p0 $0x108  }
0x21: {  	s3 =	sadd.s32 s3, s9;
	s6 =	sadd.s32 @!p0 $0x88, s6;
	s7 =	simm.s32 @p2 $0x1082  }
0x22: {  	[simem:s7], [sflag:s8] =	dma.local @!p0 [hbm:s6], $0xF7A  }
0x23: {  	s9 =	sor.u32 $0xD0000000, s2;
	s6 =	simm.s32 $0x108;
	_ =	swait.ge @!p0 [sflag:s8], $0x0  }
0x24: {  	s3 =	sadd.s32 $0x88, s3;
	s6 =	simm.s32 @!p1 $0x1082;
	[sflag:s4] =	ssyncset.s32 $0xFFFFF086  }
0x25: {  	[simem:s6], [sflag:s4] =	dma.local [hbm:s3], $0xF7A  }
0x26: {  	[smem:$0x3F9A] =	sst s1;
	(tag) =	ssettag s2;
	_ =	strace s9  }
0x27: {  	s1 =	sld [smem:$0x3FAA]  }
0x28: {  	s2 =	sld [smem:$0x3FAB]  }
0x29: {  	s4 =	sld [smem:$0x3FAD]  }
0x2a: {  	p0 =	seq.s32 s5, $0x0;
	s5 =	sld [smem:$0x3FAE]  }
0x2b: {  	s6 =	sld [smem:$0x3FAF]  }
0x2c: {  	s7 =	sld [smem:$0x3FB0]  }
0x2d: {  	s3 =	simm.s32 $0x108;
	s8 =	sld [smem:$0x3FB1]  }
0x2e: {  	s3 =	simm.s32 @!p0 $0x1082;
	s9 =	sld [smem:$0x3FB2]  }
0x2f: {  	lr =	sadd.s32 s0, s3;
	s0 =	sld [smem:$0x3FA9]  }
0x30: {  	s3 =	sld [smem:$0x3FAC]  }
0x31: {  	[smem:$0x3FB5] =	sst s10  }
0x32: {  	s10 =	sld [smem:$0x3FB3];
	_ =	sdelay $0x3  }
0x33: {  	p0 =	seq.s32 s10, $0x1;
	s10 =	sld [smem:$0x3FB5];
	_ =	sdelay $0x3  }
0x34: {  	[smem:$0x3FB5] =	sst s10  }
0x35: {  	s10 =	sld [smem:$0x3FB4];
	_ =	sdelay $0x3  }
0x36: {  	p1 =	seq.s32 s10, $0x1;
	s10 =	sld [smem:$0x3FB5];
	_ =	sdelay $0x3  }
0x37: {  	[smem:$0x3FB5] =	sst s10  }
0x38: {  	s10 =	sld [smem:$0x3FB6]  }
0x39: {  	_ = 	snop;
	(pc) =	sbr.ind lr, $3  }
0x3a: {  	_ = 	snop  }
0x3b: {  	_ = 	snop  }
0x3c: {  	p2 =	seq.s32 s10, $0x1;
	s10 =	sld [smem:$0x3FB5]  }
0x3d: {  	_ =	shalt  }
0x3e: {  	_ =	shalt  }
0x3f: {  	_ =	shalt  }
0x40: {  	_ =	shalt  }
0x41: {  	_ =	shalt  }
0x42: {  	_ =	shalt  }
0x43: {  	_ =	shalt  }
0x44: {  	_ =	shalt  }
0x45: {  	_ =	shalt  }
0x46: {  	_ =	shalt  }
0x47: {  	_ =	shalt  }
0x48: {  	_ =	shalt  }
0x49: {  	_ =	shalt  }
0x4a: {  	_ =	shalt  }
0x4b: {  	_ =	shalt  }
0x4c: {  	_ =	shalt  }
0x4d: {  	_ =	shalt  }
0x4e: {  	_ =	shalt  }
0x4f: {  	_ =	shalt  }
0x50: {  	_ =	shalt  }
0x51: {  	_ =	shalt  }
0x52: {  	_ =	shalt  }
0x53: {  	_ =	shalt  }
0x54: {  	_ =	shalt  }
0x55: {  	_ =	shalt  }
0x56: {  	_ =	shalt  }
0x57: {  	_ =	shalt  }
0x58: {  	_ =	shalt  }
0x59: {  	_ =	shalt  }
0x5a: {  	_ =	shalt  }
0x5b: {  	_ =	shalt  }
0x5c: {  	_ =	shalt  }
0x5d: {  	_ =	shalt  }
0x5e: {  	_ =	shalt  }
0x5f: {  	_ =	shalt  }
0x60: {  	_ =	shalt  }
0x61: {  	_ =	shalt  }
0x62: {  	_ =	shalt  }
0x63: {  	_ =	shalt  }
0x64: {  	_ =	shalt  }
0x65: {  	_ =	shalt  }
0x66: {  	_ =	shalt  }
0x67: {  	_ =	shalt  }
0x68: {  	_ =	shalt  }
0x69: {  	_ =	shalt  }
0x6a: {  	_ =	shalt  }
0x6b: {  	_ =	shalt  }
0x6c: {  	_ =	shalt  }
0x6d: {  	_ =	shalt  }
0x6e: {  	_ =	shalt  }
0x6f: {  	_ =	shalt  }
0x70: {  	_ =	shalt  }
0x71: {  	_ =	shalt  }
0x72: {  	_ =	shalt  }
0x73: {  	_ =	shalt  }
0x74: {  	_ =	shalt  }
0x75: {  	_ =	shalt  }
0x76: {  	_ =	shalt  }
0x77: {  	_ =	shalt  }
0x78: {  	_ =	shalt  }
0x79: {  	_ =	shalt  }
0x7a: {  	_ =	shalt  }
0x7b: {  	_ =	shalt  }
0x7c: {  	_ =	shalt  }
0x7d: {  	_ =	shalt  }
0x7e: {  	_ =	shalt  }
0x7f: {  	_ =	shalt  }
0x80: {  	_ =	shalt  }
0x81: {  	_ =	shalt  }
0x82: {  	_ =	shalt  }
0x83: {  	_ =	shalt  }
0x84: {  	_ =	shalt  }
0x85: {  	_ =	shalt  }
0x86: {  	_ =	shalt  }
0x87: {  	_ =	shalt  }
.Lfunc_end0:
.L_simem_size_0:
called_computation.1_lowered:
.L_overlay_start_0:
0x88: {  	s2 =	sld [smem:$0x3FD9]  }
0x89: {  	s3 =	sld [smem:$0x3FFE];
	_ =	sdelay $0x1  }
0x8a: {  	s1 =	srdreg.scid  }
0x8b: {  	s0 =	sand.u32 $0x1, s1  }
0x8c: {  	s14 =	sshll.u32 s0, $0xA;
	s2 =	sadd.s32 s3, s2  }
0x8d: {  	s2 =	sadd.s32 s2, s14  }
0x8e: {  	[smem:$0x3FC1] =	sst s2  }
0x8f: {  	_ = 	snop  }
0x90: {  	s2 =	sld [smem:$0x3FD0];
	_ =	sdelay $0x2  }
0x91: {  	s15 =	simm.s32 $0xA;
	s4 =	simm.s32 $0x10  }
0x92: {  	[smem:s4], [sflag:s15] =	dma.local [hbm:s2], $0x1  }
0x93: {  	_ =	swait.eq [sflag:s15], $0x1  }
0x94: {  	[sflag:s15] =	ssyncset.done $0x0  }
0x95: {  	s16 =	sld [smem:$0x10];
	[sflag:s15] =	ssyncadd.s32 $0xFFFFFFFF  }
0x96: {  	s17 =	sld [smem:$0x11];
	(tm) =	ssettm $0x1  }
0x97: {  	s18 =	sld [smem:$0x3FFB];
	_ =	sdelay $0x3  }
0x98: {  	_ =	strace s18  }
0x99: {  	s4 =	sld [smem:$0x3FFC];
	_ =	sdelay $0x3  }
0x9a: {  	_ =	strace s4  }
0x9b: {  	s4 =	sld [smem:$0x3FFD];
	_ =	sdelay $0x3  }
0x9c: {  	_ =	strace s4  }
0x9d: {  	_ =	strace $0x8FFFFFFF  }
0x9e: {  	s19 =	sld [smem:$0x3FDB];
	_ =	sdelay $0x1  }
0x9f: {  	s5 =	simm.s32 $_scs_section_size  }
0xa0: {  	s6 =	simm.s32 $_size__tile_overlayer_lowered;
	s7 =	simm.s32 $_tile_overlayer_lowered  }
0xa1: {  	s22 =	simm.s32 $0x1BFF;
	s21 =	sshll.u32 s7, $0x1;
	s4 =	sadd.s32 s5, s19  }
0xa2: {  	s8 =	simm.s32 $0x0;
	s20 =	sshll.u32 s6, $0x1;
	s6 =	sadd.s32 s21, s4  }
0xa3: {  	[timem:s8], [sflag:s22] =	dma.local [hbm:s6], s20  }
0xa4: {  	_ =	swait.ge [sflag:s22], s20  }
0xa5: {  	s5 =	ssub.s32 $0x0, s20;
	[sflag:s22] =	ssyncset.done $0x0  }
0xa6: {  	[sflag:s22] =	ssyncadd.s32 s5;
	_ =	sdelay $0x1  }
0xa7: {  	s23 =	simm.s32 $0x1B8B  }
0xa8: {  	_ =	swait.ge [sflag:s23], $0x1  }
0xa9: {  	[sflag:s23] =	ssyncset.done $0x0  }
0xaa: {  	s25 =	simm.s32 $0x1B8E;
	s24 =	sld [smem:$0x3FFE];
	[sflag:s23] =	ssyncadd.s32 $0xFFFFFFFF  }
0xab: {  	s26 =	simm.s32 $execute0_lowered;
	[smem:$0x3FD2] =	sst s25  }
0xac: {  	s6 =	sshll.u32 s26, $0x1;
	_ =	strace $0x80000049;
	[dreg:$0x1] =	wrdreg $0xFFFFFFFF  }
0xad: {  	s28 =	simm.s32 $_size_execute0_lowered;
	s4 =	sadd.s32 s4, s6;
	[dreg:$0x0] =	wrdreg $0x0  }
0xae: {  	s6 =	sshll.u32 s28, $0x1;
	[dreg:$0x2] =	wrdreg s4  }
0xaf: {  	[dreg:$0x3] =	wrdreg s6  }
0xb0: {  	[dreg:$0x4] =	wrdreg $0xC0  }
0xb1: {  	_ =	task [dreg:s8], $0x5FFFF  }
0xb2: {  	[dreg:$0x1] =	wrdreg $0xFFFFFFFF  }
0xb3: {  	[dreg:$0x0] =	wrdreg $0x60  }
0xb4: {  	[dreg:$0x2] =	wrdreg s17  }
0xb5: {  	[dreg:$0x3] =	wrdreg s24  }
0xb6: {  	[dreg:$0x4] =	wrdreg s16  }
0xb7: {  	[dreg:$0x5] =	wrdreg $0x9  }
0xb8: {  	_ =	task.clear_ibuf [dreg:s8], $0x6FFFF;
	_ =	strace $0x90000049  }
0xb9: {  	s29 =	simm.s32 $0x9;
	_ =	strace $0x8000004B  }
0xba: {  	_ =	swait.ge [sflag:s29], $0x1  }
0xbb: {  	[sflag:s29] =	ssyncadd.s32 $0xFFFFFFFF  }
0xbc: {  	_ =	strace $0x9000004B  }
0xbd: {  	_ =	sfence  }
0xbe: {  	s30 =	sld [smem:$0x0];
	_ =	sdelay $0x2  }
0xbf: {  	s31 =	sshll.u32 s1, $0xD;
	s1 =	sshrl.u32 s1, $0x2  }
0xc0: {  	s3 =	sand.u32 $0x4000, s31;
	s1 =	sadd.s32 s1, s30  }
0xc1: {  	s0 =	sor.u32 s3, s0;
	s1 =	sshll.u32 s1, $0x11  }
0xc2: {  	s0 =	sor.u32 s1, s0  }
0xc3: {  	s0 =	sadd.s32 $0x8F2B, s0  }
0xc4: {  	[sflag:s0] =	ssyncadd.remote.s32 $0x1  }
0xc5: {  	_ =	sfence.sel $0xFFFF  }
0xc6: {  	[dreg:$0x0] =	wrdreg $0xFFFFFFFF;
	(pc) =	sbr.abs _section_cstart, $3  }
0xc7: {  	[dreg:$0x1] =	wrdreg $0xFFFFFFFF  }
0xc8: {  	_ =	task.clear_ibuf [dreg:s8], $0x2FFFF;
	_ =	strace $0x9FFFFFFF  }
0xc9: {  	(tm) =	ssettm $0x7FFFFFFF  }
tec
execute0_lowered:
.L_overlay_start_1:
0x0: {  	(tag) =	ssettag $0x1  }
0x1: {  	s5 =	rddreg [dreg:$0x0]  }
0x2: {  	s4 =	rddreg [dreg:$0x1]  }
0x3: {  	s6 =	rddreg [dreg:$0x2]  }
0x4: {  	s0 =	rddreg [dreg:$0x3];
	s3 =	srdreg.scid  }
0x5: {  	s2 =	simm.s32 $0x0;
	s1 =	stileid.u32;
	s11 =	simm.s32 $0x60  }
0x6: {  	s12 =	simm.s32 $0x3980;
	s13 =	simm.s32 $0x5780;
	s14 =	simm.s32 $0x5E00  }
0x7: {  	s15 =	simm.s32 $0x6400;
	s16 =	simm.s32 $0x8480;
	s17 =	simm.s32 $0xA280  }
0x8: {  	s18 =	simm.s32 $0xA900;
	s19 =	simm.s32 $0x1;
	s20 =	simm.s32 $0x2  }
0x9: {  	s21 =	simm.s32 $0xAF00;
	s22 =	simm.s32 $0x0;
	s3 =	sand.u32 $0x1, s3  }
0xa: {  	[smem:$0x7FF] =	sst s2;
	s7 =	sshll.u32 s1, $0x6;
	s8 =	sshll.u32 s3, $0x5  }
0xb: {  	_ =	strace $0x8000004A;
	s9 =	ssub.s32 $0x2, s3;
	s3 =	sadd.s32 $0x188200, s4  }
0xc: {  	s4 =	sadd.s32 $0x403000, s4;
	s7 =	sor.u32 s8, s7;
	s31 =	sshrl.u32 s9, $0x1  }
0xd: {  	s10 =	smul.u32 $0x19, s7;
	s8 =	ssub.s32 s9, s31;
	s7 =	sshll.u32 s7, $0x1  }
0xe: {  	s9 =	simm.s32 $0x68;
	s6 =	sadd.s32 s6, s7;
	s7 =	smax.u32 s8, $0x1  }
0xf: {  	s8 =	simm.s32 $0x3;
	s5 =	sadd.s32 s5, s10;
	s10 =	simm.s32 $0x1900  }
.LBB2_1:
0x10: {  	[tilespmem:s2], [sflag:$0x3] =	stream.linear.gather [hbm4b:s5+s2], $0x1900, $0x38;
	[tilespmem:$0xB100] =	vst v63  }
0x11: {  	_ =	swait.ge [sflag:s8], $0x1900  }
0x12: {  	[sflag:s8] =	ssyncset.done $0x0  }
0x13: {  	[sflag:s8] =	ssyncadd.s32 $0xFFFFE700  }
0x14: {  	[tilespmem:s10], [sflag:$0x1] =	stream.indirect.gather [hbm4b:s3+s9], $0x50, s2, s9, $0xb8;
	[tilespmem:$0xB100] =	vst v63  }
0x15: {  	_ = 	snop  }
0x16: {  	[tilespmem:s12], [sflag:$0x1] =	stream.indirect.gather [hbm4b:s3+s11], $0x50, s9, s11, $0xb8;
	[tilespmem:$0xB100] =	vst v63  }
0x17: {  	_ = 	snop  }
0x18: {  	[tilespmem:s13], [sflag:$0x1] =	stream.indirect.gather [hbm4b:s4+s9], $0x10, s2, s9, $0xb8;
	[tilespmem:$0xB100] =	vst v63  }
0x19: {  	s23 =	simm.s32 $0x0  }
0x1a: {  	[tilespmem:s14], [sflag:$0x1] =	stream.indirect.gather [hbm4b:s4+s11], $0x10, s9, s11, $0xb8;
	[tilespmem:$0xB100] =	vst v63  }
.LBB2_2:
0x1b: {  	s24 =	sshllo.u32 s23, $0x1  }
0x1c: {  	s25 =	smul.u32 $0x320, s24;
	_ =	sdelay $0x1  }
0x1d: {  	s25 =	sshra.s32 s25, $0x2  }
0x1e: {  	[tilespmem:s15], [sflag:$0x2] =	stream.indirect.gather [hbm4b:s3+s9], $0x50, s25, s9, $0xb8;
	[tilespmem:$0xB100] =	vst v63  }
0x1f: {  	s26 =	sadd.s32 $0x68, s25  }
0x20: {  	[tilespmem:s16], [sflag:$0x2] =	stream.indirect.gather [hbm4b:s3+s11], $0x50, s26, s11, $0xb8;
	[tilespmem:$0xB100] =	vst v63  }
0x21: {  	_ = 	snop  }
0x22: {  	[tilespmem:s17], [sflag:$0x2] =	stream.indirect.gather [hbm4b:s4+s9], $0x10, s25, s9, $0xb8;
	[tilespmem:$0xB100] =	vst v63  }
0x23: {  	_ = 	snop  }
0x24: {  	[tilespmem:s18], [sflag:$0x2] =	stream.indirect.gather [hbm4b:s4+s11], $0x10, s26, s11, $0xb8;
	[tilespmem:$0xB100] =	vst v63  }
0x25: {  	_ =	swait.ge [sflag:s19], $0x2080  }
0x26: {  	[sflag:s19] =	ssyncset.done $0x0  }
0x27: {  	[sflag:s19] =	ssyncadd.s32 $0xFFFFDF80  }
0x28: {  	_ =	swait.ge [sflag:s19], $0x1E00  }
0x29: {  	[sflag:s19] =	ssyncset.done $0x0  }
0x2a: {  	[sflag:s19] =	ssyncadd.s32 $0xFFFFE200  }
0x2b: {  	_ =	swait.ge [sflag:s19], $0x680  }
0x2c: {  	[sflag:s19] =	ssyncset.done $0x0  }
0x2d: {  	[sflag:s19] =	ssyncadd.s32 $0xFFFFF980  }
0x2e: {  	_ =	swait.ge [sflag:s19], $0x600  }
0x2f: {  	[sflag:s19] =	ssyncset.done $0x0  }
0x30: {  	[sflag:s19] =	ssyncadd.s32 $0xFFFFFA00  }
0x31: {  	v15 =	vld [tilespmem:$0x5780]  }
0x32: {  	v4 =	vld [tilespmem:$0x5790]  }
0x33: {  	v3 =	vld [tilespmem:$0x57A0]  }
0x34: {  	v2 =	vld [tilespmem:$0x57B0]  }
0x35: {  	v0 =	vld [tilespmem:$0x57C0]  }
0x36: {  	v16 =	vld [tilespmem:$0x19A0]  }
0x37: {  	v17 =	vld [tilespmem:$0x19B0]  }
0x38: {  	v18 =	vld [tilespmem:$0x19C0]  }
0x39: {  	v21 =	vld [tilespmem:$0x19D0]  }
0x3a: {  	v34 =	vld [tilespmem:$0x19E0]  }
0x3b: {  	v13 =	vld [tilespmem:$0x25E0]  }
0x3c: {  	v11 =	vld [tilespmem:$0x25F0]  }
0x3d: {  	v12 =	vld [tilespmem:$0x2600]  }
0x3e: {  	v9 =	vld [tilespmem:$0x2610]  }
0x3f: {  	v10 =	vld [tilespmem:$0x3220]  }
0x40: {  	v7 =	vld [tilespmem:$0x3230]  }
0x41: {  	v8 =	vld [tilespmem:$0x3240]  }
0x42: {  	v5 =	vld [tilespmem:$0x3E60]  }
0x43: {  	v6 =	vld [tilespmem:$0x3E70]  }
0x44: {  	s26 =	simm.s32 $0x0;
	v1 =	vld [tilespmem:$0x4AA0]  }
0x45: {  	v36 =	vld [tilespmem:s26+$0x4AE0]  }
0x46: {  	v37 =	vld [tilespmem:s26+$0x3EC0]  }
0x47: {  	v20 =	vld [tilespmem:s26+$0x3EB0]  }
0x48: {  	v23 =	vld [tilespmem:s26+$0x4AB0]  }
0x49: {  	v22 =	vld [tilespmem:s26+$0x4AC0]  }
0x4a: {  	v25 =	vld [tilespmem:s26+$0x3290]  }
0x4b: {  	v24 =	vld [tilespmem:s26+$0x3280]  }
0x4c: {  	v27 =	vld [tilespmem:s26+$0x3E80]  }
0x4d: {  	v26 =	vld [tilespmem:s26+$0x3E90]  }
0x4e: {  	v31 =	vld [tilespmem:s26+$0x2660]  }
0x4f: {  	v30 =	vld [tilespmem:s26+$0x2650]  }
0x50: {  	v32 =	vld [tilespmem:s26+$0x3250]  }
0x51: {  	v14 =	vld [tilespmem:s26+$0x5810]  }
0x52: {  	v19 =	vld [tilespmem:s26+$0x1A30]  }
0x53: {  	v28 =	vld [tilespmem:s26+$0x5800]  }
0x54: {  	v33 =	vld [tilespmem:s26+$0x1A20];
	v15 =	vmul.f32 v16, v15;
	v16 =	vmul.f32 v17, v4  }
0x55: {  	v29 =	vld [tilespmem:s26+$0x57D0];
	v17 =	vmul.f32 v18, v3  }
0x56: {  	v15 =	vmax.f32 v15, v16;
	v16 =	vmul.f32 v21, v2;
	v21 =	vld [tilespmem:s26+$0x57E0]  }
0x57: {  	v35 =	vld [tilespmem:s26+$0x19F0];
	v18 =	vmul.f32 v34, v0;
	v15 =	vmax.f32 v15, v17  }
0x58: {  	v34 =	vld [tilespmem:s26+$0x2620];
	v15 =	vmax.f32 v15, v16  }
0x59: {  	s28 =	simm.s32 $0x140;
	s25 =	sshll.u32 s23, $0x1;
	v17 =	vld [tilespmem:s26+$0x57F0];
	v16 =	vmul.f32 v37, v14;
	v18 =	vmax.f32 v15, v18;
	v15 =	vmul.f32 v36, v28  }
.LBB2_3:
0x5a: {  	p0 =	sne.s32 s28, $0x2E40;
	v36 =	vld [tilespmem:s26+$0x1A00];
	v37 =	vmul.f32 v20, v28;
	v38 =	vmul.f32 v23, v29  }
0x5b: {  	v39 =	vmul.f32 v25, v14;
	v20 =	vld [tilespmem:s26+$0x1A10];
	v40 =	vmul.f32 v22, v21  }
0x5c: {  	v24 =	vmul.f32 v24, v28;
	v25 =	vmul.f32 v27, v29;
	v22 =	vld [tilespmem:s26+$0x2630]  }
0x5d: {  	v27 =	vmul.f32 v31, v14;
	v26 =	vmul.f32 v26, v21;
	v23 =	vld [tilespmem:s26+$0x2640]  }
0x5e: {  	v30 =	vmul.f32 v30, v28;
	v31 =	vmul.f32 v32, v29;
	v32 =	vld [tilespmem:s26+$0x3260]  }
0x5f: {  	v35 =	vmul.f32 v35, v29;
	v36 =	vmul.f32 v36, v21;
	v41 =	vld [tilespmem:s26+$0x3270]  }
0x60: {  	v28 =	vmul.f32 v33, v28;
	v20 =	vmul.f32 v20, v17;
	v33 =	vld [tilespmem:s26+$0x4AF0]  }
0x61: {  	s29 =	sshra.s32 s28, $0x2;
	v29 =	vmul.f32 v34, v29;
	v35 =	vmax.f32 v35, v36;
	v22 =	vmul.f32 v22, v21;
	v34 =	vld [tilespmem:s26+$0x3EA0]  }
0x62: {  	v19 =	vmul.f32 v19, v14;
	v36 =	vld [tilespmem:s29+$0x4AE0];
	v20 =	vmax.f32 v35, v20;
	v23 =	vmul.f32 v23, v17  }
0x63: {  	v20 =	vmax.f32 v20, v28;
	v22 =	vmax.f32 v29, v22;
	v21 =	vmul.f32 v32, v21;
	v28 =	vld [tilespmem:s26+$0x4AD0];
	s26 =	smov.u32 s29  }
0x64: {  	v42 =	vld [tilespmem:s26+$0x3EC0];
	v19 =	vmax.f32 v20, v19;
	v22 =	vmax.f32 v22, v23;
	v29 =	vmul.f32 v41, v17  }
0x65: {  	v20 =	vld [tilespmem:s26+$0x3EB0];
	v18 =	vadd.f32 v19, v18;
	v19 =	vmax.f32 v22, v30;
	v21 =	vmax.f32 v31, v21  }
0x66: {  	v23 =	vld [tilespmem:s26+$0x4AB0];
	v19 =	vmax.f32 v19, v27;
	v21 =	vmax.f32 v21, v29;
	v27 =	vmul.f32 v34, v17  }
0x67: {  	v22 =	vld [tilespmem:s26+$0x4AC0];
	v18 =	vadd.f32 v19, v18;
	v19 =	vmax.f32 v21, v24;
	v21 =	vmax.f32 v25, v26  }
0x68: {  	v25 =	vld [tilespmem:s26+$0x3290];
	v19 =	vmax.f32 v19, v39;
	v21 =	vmax.f32 v21, v27;
	v17 =	vmul.f32 v28, v17  }
0x69: {  	v24 =	vld [tilespmem:s26+$0x3280];
	v18 =	vadd.f32 v19, v18;
	v19 =	vmax.f32 v21, v37;
	v21 =	vmax.f32 v38, v40  }
0x6a: {  	v14 =	vmul.f32 v33, v14;
	v27 =	vld [tilespmem:s26+$0x3E80];
	v16 =	vmax.f32 v19, v16;
	v17 =	vmax.f32 v21, v17  }
0x6b: {  	v26 =	vld [tilespmem:s26+$0x3E90];
	v16 =	vadd.f32 v16, v18;
	v15 =	vmax.f32 v17, v15  }
0x6c: {  	v31 =	vld [tilespmem:s26+$0x2660];
	v14 =	vmax.f32 v15, v14  }
0x6d: {  	v30 =	vld [tilespmem:s26+$0x2650];
	v18 =	vadd.f32 v14, v16  }
0x6e: {  	v32 =	vld [tilespmem:s26+$0x3250]  }
0x6f: {  	v14 =	vld [tilespmem:s26+$0x5810]  }
0x70: {  	v19 =	vld [tilespmem:s26+$0x1A30]  }
0x71: {  	v28 =	vld [tilespmem:s26+$0x5800]  }
0x72: {  	v33 =	vld [tilespmem:s26+$0x1A20]  }
.Ltmp0:
0x73: {  	v29 =	vld [tilespmem:s26+$0x57D0];
	(pc) =	sbr.rel @p0 .LBB2_3-.Ltmp0, $4  }
0x74: {  	v21 =	vld [tilespmem:s26+$0x57E0]  }
0x75: {  	v34 =	vld [tilespmem:s26+$0x2620]  }
0x76: {  	v17 =	vld [tilespmem:s26+$0x57F0]  }
0x77: {  	s28 =	sadd.s32 $0x140, s28;
	v16 =	vmul.f32 v42, v14;
	v15 =	vmul.f32 v36, v28;
	v35 =	vld [tilespmem:s26+$0x19F0]  }
0x78: {  	v20 =	vmul.f32 v20, v28  }
0x79: {  	v23 =	vmul.f32 v23, v29;
	v25 =	vmul.f32 v25, v14  }
0x7a: {  	v24 =	vmul.f32 v24, v28;
	v27 =	vmul.f32 v27, v29  }
0x7b: {  	v31 =	vmul.f32 v31, v14;
	v30 =	vmul.f32 v30, v28  }
0x7c: {  	v36 =	vld [tilespmem:s26+$0x1A00];
	v32 =	vmul.f32 v32, v29;
	v28 =	vmul.f32 v33, v28  }
0x7d: {  	v37 =	vld [tilespmem:s26+$0x1A10];
	v19 =	vmul.f32 v19, v14;
	v4 =	vmul.f32 v13, v4  }
0x7e: {  	v38 =	vld [tilespmem:s26+$0x2630];
	v11 =	vmul.f32 v11, v3;
	v12 =	vmul.f32 v12, v2  }
0x7f: {  	v39 =	vld [tilespmem:s26+$0x2640];
	v9 =	vmul.f32 v9, v0;
	v3 =	vmul.f32 v10, v3  }
0x80: {  	v40 =	vld [tilespmem:s26+$0x3260];
	v7 =	vmul.f32 v7, v2;
	v8 =	vmul.f32 v8, v0  }
0x81: {  	v41 =	vld [tilespmem:s26+$0x3270];
	v2 =	vmul.f32 v5, v2;
	v5 =	vmul.f32 v6, v0  }
0x82: {  	v54 =	vld [tilespmem:s26+$0x4AF0];
	v22 =	vmul.f32 v22, v21;
	v26 =	vmul.f32 v26, v21;
	v4 =	vmax.f32 v4, v11  }
0x83: {  	v56 =	vld [tilespmem:s26+$0x3EA0];
	v3 =	vmax.f32 v3, v7;
	v35 =	vmul.f32 v35, v29;
	v36 =	vmul.f32 v36, v21  }
0x84: {  	v58 =	vld [tilespmem:s26+$0x4AD0];
	v4 =	vmax.f32 v4, v12;
	v3 =	vmax.f32 v3, v8;
	v37 =	vmul.f32 v37, v17  }
0x85: {  	v59 =	vld [tilespmem:$0x63B0];
	v29 =	vmul.f32 v34, v29;
	v55 =	vmul.f32 v38, v21;
	v35 =	vmax.f32 v35, v36  }
0x86: {  	v60 =	vld [tilespmem:$0x63C0];
	v4 =	vmax.f32 v4, v9;
	v57 =	vmul.f32 v39, v17;
	v35 =	vmax.f32 v35, v37  }
0x87: {  	v13 =	vld [tilespmem:$0x3E30];
	v21 =	vmul.f32 v40, v21;
	v29 =	vmax.f32 v29, v55;
	v28 =	vmax.f32 v35, v28  }
0x88: {  	v10 =	vld [tilespmem:$0x3E50];
	v19 =	vmax.f32 v28, v19;
	v28 =	vmax.f32 v29, v57;
	v29 =	vmul.f32 v41, v17  }
0x89: {  	v6 =	vld [tilespmem:$0x4A70];
	v21 =	vmax.f32 v32, v21;
	v18 =	vadd.f32 v19, v18;
	v19 =	vmax.f32 v28, v30  }
0x8a: {  	v11 =	vld [tilespmem:$0x4A60];
	v19 =	vmax.f32 v19, v31;
	v21 =	vmax.f32 v21, v29;
	v29 =	vmul.f32 v56, v17  }
0x8b: {  	v8 =	vld [tilespmem:$0x4A90];
	v18 =	vadd.f32 v19, v18;
	v19 =	vmax.f32 v21, v24;
	v21 =	vmax.f32 v27, v26  }
0x8c: {  	v9 =	vld [tilespmem:$0x4A80];
	v17 =	vmul.f32 v58, v17;
	v19 =	vmax.f32 v19, v25;
	v21 =	vmax.f32 v21, v29  }
0x8d: {  	v25 =	vld [tilespmem:$0x25D0];
	v18 =	vadd.f32 v19, v18;
	v19 =	vmax.f32 v21, v20;
	v20 =	vmax.f32 v23, v22  }
0x8e: {  	v14 =	vmul.f32 v54, v14;
	v21 =	vld [tilespmem:$0x3200];
	v17 =	vmax.f32 v20, v17  }
0x8f: {  	v16 =	vmax.f32 v19, v16;
	v19 =	vld [tilespmem:$0x3210];
	v15 =	vmax.f32 v17, v15  }
0x90: {  	v14 =	vmax.f32 v15, v14;
	v15 =	vld [tilespmem:$0x3E40]  }
0x91: {  	v28 =	vld [tilespmem:$0x63D0];
	v16 =	vadd.f32 v16, v18  }
0x92: {  	v12 =	vmul.f32 v13, v59;
	v13 =	vld [tilespmem:$0x5690];
	v7 =	vmul.f32 v25, v59  }
0x93: {  	v2 =	vmax.f32 v2, v5;
	v30 =	vld [tilespmem:$0x63E0];
	v14 =	vadd.f32 v14, v16;
	v5 =	vmul.f32 v21, v59  }
0x94: {  	v24 =	vld [tilespmem:$0x63F0];
	v4 =	vmax.f32 v4, v7;
	v7 =	vmul.f32 v19, v60  }
0x95: {  	v4 =	vadd.f32 v4, v14;
	v3 =	vmax.f32 v3, v5;
	v14 =	vld [tilespmem:$0x56A0];
	v5 =	vmul.f32 v15, v60  }
0x96: {  	v2 =	vmax.f32 v2, v12;
	v3 =	vmax.f32 v3, v7;
	v7 =	vmul.f32 v10, v28;
	v10 =	vld [tilespmem:$0x56B0]  }
0x97: {  	v3 =	vadd.f32 v3, v4;
	v4 =	vld [tilespmem:$0x56C0];
	v2 =	vmax.f32 v2, v5  }
0x98: {  	v0 =	vmul.f32 v1, v0;
	v5 =	vld [tilespmem:$0x56D0];
	v1 =	vmax.f32 v2, v7;
	v2 =	vmul.f32 v11, v59  }
0x99: {  	v1 =	vadd.f32 v1, v3;
	v3 =	vmul.f32 v6, v60;
	v6 =	vmul.f32 v9, v28  }
0x9a: {  	v7 =	vmul.f32 v14, v60;
	v0 =	vmax.f32 v0, v2;
	v2 =	vmul.f32 v13, v59  }
0x9b: {  	v0 =	vmax.f32 v0, v3;
	v3 =	vmul.f32 v8, v30;
	v8 =	vmul.f32 v10, v28  }
0x9c: {  	v4 =	vmul.f32 v4, v30;
	v0 =	vmax.f32 v0, v6;
	v2 =	vmax.f32 v2, v7  }
0x9d: {  	v0 =	vmax.f32 v0, v3;
	v2 =	vmax.f32 v2, v8;
	v3 =	vmul.f32 v5, v24  }
0x9e: {  	s25 =	smin.u32 s25, $0x1D;
	v0 =	vadd.f32 v0, v1;
	v1 =	vmax.f32 v2, v4  }
0x9f: {  	s25 =	smul.u32 $0x320, s25;
	v1 =	vmax.f32 v1, v3  }
0xa0: {  	s30 =	sshll.u32 s23, $0x5;
	v0 =	vadd.f32 v1, v0  }
0xa1: {  	s26 =	sand.u32 $0x3FFFFFE0, s30;
	s25 =	sshrl.u32 s25, $0x2  }
0xa2: {  	s31 =	sadd.s32 $0x190, s25;
	[tilespmem:s26+$0xAF00] =	vst v0  }
0xa3: {  	[tilespmem:s10], [sflag:$0x1] =	stream.indirect.gather [hbm4b:s3+s9], $0x50, s31, s9, $0xb8;
	[tilespmem:$0xB100] =	vst v63  }
0xa4: {  	s25 =	sadd.s32 $0x1F8, s25  }
0xa5: {  	[tilespmem:s12], [sflag:$0x1] =	stream.indirect.gather [hbm4b:s3+s11], $0x50, s25, s11, $0xb8;
	[tilespmem:$0xB100] =	vst v63  }
0xa6: {  	_ = 	snop  }
0xa7: {  	[tilespmem:s13], [sflag:$0x1] =	stream.indirect.gather [hbm4b:s4+s9], $0x10, s31, s9, $0xb8;
	[tilespmem:$0xB100] =	vst v63  }
0xa8: {  	_ = 	snop  }
0xa9: {  	[tilespmem:s14], [sflag:$0x1] =	stream.indirect.gather [hbm4b:s4+s11], $0x10, s25, s11, $0xb8;
	[tilespmem:$0xB100] =	vst v63  }
0xaa: {  	_ =	swait.ge [sflag:s20], $0x2080  }
0xab: {  	[sflag:s20] =	ssyncset.done $0x0  }
0xac: {  	[sflag:s20] =	ssyncadd.s32 $0xFFFFDF80  }
0xad: {  	_ =	swait.ge [sflag:s20], $0x1E00  }
0xae: {  	[sflag:s20] =	ssyncset.done $0x0  }
0xaf: {  	[sflag:s20] =	ssyncadd.s32 $0xFFFFE200  }
0xb0: {  	_ =	swait.ge [sflag:s20], $0x680  }
0xb1: {  	[sflag:s20] =	ssyncset.done $0x0  }
0xb2: {  	[sflag:s20] =	ssyncadd.s32 $0xFFFFF980  }
0xb3: {  	_ =	swait.ge [sflag:s20], $0x600  }
0xb4: {  	[sflag:s20] =	ssyncset.done $0x0  }
0xb5: {  	[sflag:s20] =	ssyncadd.s32 $0xFFFFFA00  }
0xb6: {  	v15 =	vld [tilespmem:$0xA280]  }
0xb7: {  	v4 =	vld [tilespmem:$0xA290]  }
0xb8: {  	v3 =	vld [tilespmem:$0xA2A0]  }
0xb9: {  	v2 =	vld [tilespmem:$0xA2B0]  }
0xba: {  	v0 =	vld [tilespmem:$0xA2C0]  }
0xbb: {  	v16 =	vld [tilespmem:$0x64A0]  }
0xbc: {  	v17 =	vld [tilespmem:$0x64B0]  }
0xbd: {  	v18 =	vld [tilespmem:$0x64C0]  }
0xbe: {  	v21 =	vld [tilespmem:$0x64D0]  }
0xbf: {  	v61 =	vld [tilespmem:$0x64E0]  }
0xc0: {  	v13 =	vld [tilespmem:$0x70E0]  }
0xc1: {  	v11 =	vld [tilespmem:$0x70F0]  }
0xc2: {  	v12 =	vld [tilespmem:$0x7100]  }
0xc3: {  	v9 =	vld [tilespmem:$0x7110]  }
0xc4: {  	v10 =	vld [tilespmem:$0x7D20]  }
0xc5: {  	v7 =	vld [tilespmem:$0x7D30]  }
0xc6: {  	v8 =	vld [tilespmem:$0x7D40]  }
0xc7: {  	v5 =	vld [tilespmem:$0x8960]  }
0xc8: {  	v6 =	vld [tilespmem:$0x8970]  }
0xc9: {  	s25 =	simm.s32 $0x0;
	v1 =	vld [tilespmem:$0x95A0]  }
0xca: {  	v62 =	vld [tilespmem:s25+$0x95E0]  }
0xcb: {  	v63 =	vld [tilespmem:s25+$0x89C0]  }
0xcc: {  	v20 =	vld [tilespmem:s25+$0x89B0]  }
0xcd: {  	v23 =	vld [tilespmem:s25+$0x95B0]  }
0xce: {  	v22 =	vld [tilespmem:s25+$0x95C0]  }
0xcf: {  	v25 =	vld [tilespmem:s25+$0x7D90]  }
0xd0: {  	v24 =	vld [tilespmem:s25+$0x7D80]  }
0xd1: {  	v27 =	vld [tilespmem:s25+$0x8980]  }
0xd2: {  	v26 =	vld [tilespmem:s25+$0x8990]  }
0xd3: {  	v31 =	vld [tilespmem:s25+$0x7160]  }
0xd4: {  	v30 =	vld [tilespmem:s25+$0x7150]  }
0xd5: {  	v32 =	vld [tilespmem:s25+$0x7D50]  }
0xd6: {  	v14 =	vld [tilespmem:s25+$0xA310]  }
0xd7: {  	v19 =	vld [tilespmem:s25+$0x6530]  }
0xd8: {  	v28 =	vld [tilespmem:s25+$0xA300]  }
0xd9: {  	v33 =	vld [tilespmem:s25+$0x6520];
	v15 =	vmul.f32 v16, v15;
	v16 =	vmul.f32 v17, v4  }
0xda: {  	v29 =	vld [tilespmem:s25+$0xA2D0];
	v17 =	vmul.f32 v18, v3  }
0xdb: {  	v15 =	vmax.f32 v15, v16;
	v16 =	vmul.f32 v21, v2;
	v21 =	vld [tilespmem:s25+$0xA2E0]  }
0xdc: {  	v34 =	vld [tilespmem:s25+$0x7120];
	v18 =	vmul.f32 v61, v0;
	v15 =	vmax.f32 v15, v17  }
0xdd: {  	v35 =	vld [tilespmem:s25+$0x64F0];
	v15 =	vmax.f32 v15, v16  }
0xde: {  	s26 =	simm.s32 $0x140;
	v17 =	vld [tilespmem:s25+$0xA2F0];
	v16 =	vmul.f32 v63, v14;
	v18 =	vmax.f32 v15, v18;
	v15 =	vmul.f32 v62, v28  }
.LBB2_5:
0xdf: {  	p0 =	sne.s32 s26, $0x2E40;
	v36 =	vld [tilespmem:s25+$0x6500];
	v37 =	vmul.f32 v20, v28;
	v38 =	vmul.f32 v23, v29  }
0xe0: {  	v39 =	vmul.f32 v25, v14;
	v20 =	vld [tilespmem:s25+$0x6510];
	v40 =	vmul.f32 v22, v21  }
0xe1: {  	v24 =	vmul.f32 v24, v28;
	v25 =	vmul.f32 v27, v29;
	v22 =	vld [tilespmem:s25+$0x7130]  }
0xe2: {  	v27 =	vmul.f32 v31, v14;
	v26 =	vmul.f32 v26, v21;
	v23 =	vld [tilespmem:s25+$0x7140]  }
0xe3: {  	v30 =	vmul.f32 v30, v28;
	v31 =	vmul.f32 v32, v29;
	v32 =	vld [tilespmem:s25+$0x7D60]  }
0xe4: {  	v35 =	vmul.f32 v35, v29;
	v36 =	vmul.f32 v36, v21;
	v41 =	vld [tilespmem:s25+$0x7D70]  }
0xe5: {  	v28 =	vmul.f32 v33, v28;
	v20 =	vmul.f32 v20, v17;
	v33 =	vld [tilespmem:s25+$0x95F0]  }
0xe6: {  	s28 =	sshra.s32 s26, $0x2;
	v29 =	vmul.f32 v34, v29;
	v35 =	vmax.f32 v35, v36;
	v22 =	vmul.f32 v22, v21;
	v34 =	vld [tilespmem:s25+$0x89A0]  }
0xe7: {  	v19 =	vmul.f32 v19, v14;
	v36 =	vld [tilespmem:s28+$0x95E0];
	v20 =	vmax.f32 v35, v20;
	v23 =	vmul.f32 v23, v17  }
0xe8: {  	v20 =	vmax.f32 v20, v28;
	v22 =	vmax.f32 v29, v22;
	v21 =	vmul.f32 v32, v21;
	v28 =	vld [tilespmem:s25+$0x95D0];
	s25 =	smov.u32 s28  }
0xe9: {  	v42 =	vld [tilespmem:s25+$0x89C0];
	v19 =	vmax.f32 v20, v19;
	v22 =	vmax.f32 v22, v23;
	v29 =	vmul.f32 v41, v17  }
0xea: {  	v20 =	vld [tilespmem:s25+$0x89B0];
	v18 =	vadd.f32 v19, v18;
	v19 =	vmax.f32 v22, v30;
	v21 =	vmax.f32 v31, v21  }
0xeb: {  	v23 =	vld [tilespmem:s25+$0x95B0];
	v19 =	vmax.f32 v19, v27;
	v21 =	vmax.f32 v21, v29;
	v27 =	vmul.f32 v34, v17  }
0xec: {  	v22 =	vld [tilespmem:s25+$0x95C0];
	v18 =	vadd.f32 v19, v18;
	v19 =	vmax.f32 v21, v24;
	v21 =	vmax.f32 v25, v26  }
0xed: {  	v25 =	vld [tilespmem:s25+$0x7D90];
	v19 =	vmax.f32 v19, v39;
	v21 =	vmax.f32 v21, v27;
	v17 =	vmul.f32 v28, v17  }
0xee: {  	v24 =	vld [tilespmem:s25+$0x7D80];
	v18 =	vadd.f32 v19, v18;
	v19 =	vmax.f32 v21, v37;
	v21 =	vmax.f32 v38, v40  }
0xef: {  	v14 =	vmul.f32 v33, v14;
	v27 =	vld [tilespmem:s25+$0x8980];
	v16 =	vmax.f32 v19, v16;
	v17 =	vmax.f32 v21, v17  }
0xf0: {  	v26 =	vld [tilespmem:s25+$0x8990];
	v16 =	vadd.f32 v16, v18;
	v15 =	vmax.f32 v17, v15  }
0xf1: {  	v31 =	vld [tilespmem:s25+$0x7160];
	v14 =	vmax.f32 v15, v14  }
0xf2: {  	v30 =	vld [tilespmem:s25+$0x7150];
	v18 =	vadd.f32 v14, v16  }
0xf3: {  	v32 =	vld [tilespmem:s25+$0x7D50]  }
0xf4: {  	v14 =	vld [tilespmem:s25+$0xA310]  }
0xf5: {  	v19 =	vld [tilespmem:s25+$0x6530]  }
0xf6: {  	v28 =	vld [tilespmem:s25+$0xA300]  }
0xf7: {  	v33 =	vld [tilespmem:s25+$0x6520]  }
.Ltmp1:
0xf8: {  	v29 =	vld [tilespmem:s25+$0xA2D0];
	(pc) =	sbr.rel @p0 .LBB2_5-.Ltmp1, $4  }
0xf9: {  	v21 =	vld [tilespmem:s25+$0xA2E0]  }
0xfa: {  	v34 =	vld [tilespmem:s25+$0x7120]  }
0xfb: {  	v17 =	vld [tilespmem:s25+$0xA2F0]  }
0xfc: {  	s26 =	sadd.s32 $0x140, s26;
	v16 =	vmul.f32 v42, v14;
	v15 =	vmul.f32 v36, v28;
	v35 =	vld [tilespmem:s25+$0x64F0]  }
0xfd: {  	v20 =	vmul.f32 v20, v28  }
0xfe: {  	v36 =	vld [tilespmem:s25+$0x6500];
	v23 =	vmul.f32 v23, v29;
	v25 =	vmul.f32 v25, v14  }
0xff: {  	v37 =	vld [tilespmem:s25+$0x6510];
	v24 =	vmul.f32 v24, v28;
	v27 =	vmul.f32 v27, v29  }
0x100: {  	v38 =	vld [tilespmem:s25+$0x7130];
	v31 =	vmul.f32 v31, v14;
	v30 =	vmul.f32 v30, v28  }
0x101: {  	v39 =	vld [tilespmem:s25+$0x7140];
	v32 =	vmul.f32 v32, v29;
	v45 =	vmul.f32 v33, v28  }
0x102: {  	v40 =	vld [tilespmem:s25+$0x7D60];
	v19 =	vmul.f32 v19, v14;
	v4 =	vmul.f32 v13, v4  }
0x103: {  	v41 =	vld [tilespmem:s25+$0x7D70];
	v11 =	vmul.f32 v11, v3;
	v12 =	vmul.f32 v12, v2  }
0x104: {  	v46 =	vld [tilespmem:s25+$0x95F0];
	v9 =	vmul.f32 v9, v0;
	v7 =	vmul.f32 v7, v2  }
0x105: {  	v49 =	vld [tilespmem:s25+$0x89A0];
	v8 =	vmul.f32 v8, v0;
	v22 =	vmul.f32 v22, v21  }
0x106: {  	v51 =	vld [tilespmem:s25+$0x95D0];
	v26 =	vmul.f32 v26, v21;
	v47 =	vmul.f32 v34, v29  }
0x107: {  	v60 =	vld [tilespmem:$0x70D0];
	v4 =	vmax.f32 v4, v11;
	v35 =	vmul.f32 v35, v29;
	v36 =	vmul.f32 v36, v21  }
0x108: {  	v63 =	vld [tilespmem:$0x7D00];
	v58 =	vmax.f32 v27, v26;
	v37 =	vmul.f32 v37, v17;
	v48 =	vmul.f32 v38, v21  }
0x109: {  	v34 =	vld [tilespmem:$0xAEB0];
	v62 =	vmax.f32 v23, v22;
	v50 =	vmul.f32 v39, v17;
	v52 =	vmul.f32 v40, v21  }
0x10a: {  	v33 =	vld [tilespmem:$0x8950];
	v4 =	vmax.f32 v4, v12;
	v54 =	vmul.f32 v41, v17;
	v56 =	vmul.f32 v49, v17  }
0x10b: {  	v43 =	vld [tilespmem:$0x9590];
	v4 =	vmax.f32 v4, v9;
	v59 =	vmul.f32 v51, v17;
	v26 =	vmul.f32 v46, v14  }
0x10c: {  	v27 =	vld [tilespmem:$0x7D10];
	v38 =	vmul.f32 v6, v0;
	v35 =	vmax.f32 v35, v36;
	v29 =	vmax.f32 v47, v48  }
0x10d: {  	v39 =	vld [tilespmem:$0x9570];
	v21 =	vmax.f32 v32, v52;
	v17 =	vmax.f32 v62, v59;
	v35 =	vmax.f32 v35, v37  }
0x10e: {  	v41 =	vld [tilespmem:$0x9580];
	v32 =	vmul.f32 v10, v3;
	v40 =	vmul.f32 v60, v34;
	v28 =	vmax.f32 v35, v45  }
0x10f: {  	v46 =	vld [tilespmem:$0xA190];
	v42 =	vmul.f32 v63, v34;
	v53 =	vmax.f32 v29, v50;
	v19 =	vmax.f32 v28, v19  }
0x110: {  	v36 =	vld [tilespmem:$0x9560];
	v52 =	vmul.f32 v1, v0;
	v55 =	vmax.f32 v53, v30;
	v18 =	vadd.f32 v19, v18  }
0x111: {  	v48 =	vld [tilespmem:$0xA1A0];
	v21 =	vmax.f32 v21, v54;
	v15 =	vmax.f32 v17, v15;
	v19 =	vmax.f32 v55, v31  }
0x112: {  	v29 =	vld [tilespmem:$0x8930];
	v37 =	vmul.f32 v5, v2;
	v57 =	vmax.f32 v21, v24;
	v18 =	vadd.f32 v19, v18  }
0x113: {  	v35 =	vld [tilespmem:$0xAEC0];
	v21 =	vmax.f32 v58, v56;
	v14 =	vmax.f32 v15, v26;
	v19 =	vmax.f32 v57, v25  }
0x114: {  	v30 =	vld [tilespmem:$0xAEE0];
	v3 =	vmax.f32 v32, v7;
	v61 =	vmax.f32 v21, v20;
	v18 =	vadd.f32 v19, v18  }
0x115: {  	v4 =	vmax.f32 v4, v40;
	v3 =	vmax.f32 v3, v8;
	v16 =	vmax.f32 v61, v16;
	v31 =	vld [tilespmem:$0x8940]  }
0x116: {  	v28 =	vld [tilespmem:$0xAED0];
	v2 =	vmax.f32 v37, v38;
	v58 =	vmul.f32 v46, v34;
	v16 =	vadd.f32 v16, v18  }
0x117: {  	v51 =	vld [tilespmem:$0xA1C0];
	v3 =	vmax.f32 v3, v42;
	v54 =	vmul.f32 v36, v34;
	v45 =	vmul.f32 v29, v34  }
0x118: {  	v50 =	vld [tilespmem:$0xA1B0];
	v44 =	vmul.f32 v27, v35;
	v56 =	vmul.f32 v39, v35;
	v14 =	vadd.f32 v14, v16  }
0x119: {  	v24 =	vld [tilespmem:$0xAEF0];
	v0 =	vmax.f32 v52, v54;
	v59 =	vmul.f32 v48, v35;
	v60 =	vmul.f32 v43, v30  }
0x11a: {  	v55 =	vld [tilespmem:$0xA1D0];
	v2 =	vmax.f32 v2, v45;
	v47 =	vmul.f32 v31, v35;
	v4 =	vadd.f32 v4, v14  }
0x11b: {  	v49 =	vmul.f32 v33, v28;
	v57 =	vmul.f32 v41, v28;
	v3 =	vmax.f32 v3, v44  }
0x11c: {  	v0 =	vmax.f32 v0, v56;
	v2 =	vmax.f32 v2, v47;
	v3 =	vadd.f32 v3, v4  }
0x11d: {  	v61 =	vmul.f32 v50, v28;
	v0 =	vmax.f32 v0, v57;
	v53 =	vmax.f32 v2, v49  }
0x11e: {  	s23 =	sadd.s32 $0x1, s23;
	v2 =	vmax.f32 v58, v59;
	v4 =	vmul.f32 v51, v30;
	v1 =	vadd.f32 v53, v3  }
0x11f: {  	p0 =	sne.s32 s23, $0x10;
	v62 =	vmul.f32 v55, v24;
	v0 =	vmax.f32 v0, v60;
	v2 =	vmax.f32 v2, v61  }
.Ltmp2:
0x120: {  	v63 =	vmax.f32 v2, v4;
	v0 =	vadd.f32 v0, v1;
	(pc) =	sbr.rel @p0 .LBB2_2-.Ltmp2, $4  }
0x121: {  	v1 =	vmax.f32 v63, v62  }
0x122: {  	s24 =	sshll.u32 s24, $0x4;
	v0 =	vadd.f32 v1, v0  }
0x123: {  	s24 =	sand.u32 $0x3FFFFFF0, s24  }
0x124: {  	[tilespmem:s24+$0xAF00] =	vst v0  }
0x125: {  	_ =	swait.ge [sflag:s19], $0x2080  }
0x126: {  	[sflag:s19] =	ssyncset.done $0x0  }
0x127: {  	[sflag:s19] =	ssyncadd.s32 $0xFFFFDF80  }
0x128: {  	_ =	swait.ge [sflag:s19], $0x1E00  }
0x129: {  	[sflag:s19] =	ssyncset.done $0x0  }
0x12a: {  	[sflag:s19] =	ssyncadd.s32 $0xFFFFE200  }
0x12b: {  	_ =	swait.ge [sflag:s19], $0x680  }
0x12c: {  	[sflag:s19] =	ssyncset.done $0x0  }
0x12d: {  	[sflag:s19] =	ssyncadd.s32 $0xFFFFF980  }
0x12e: {  	s22 =	sadd.s32 $0x1, s22;
	_ =	swait.ge [sflag:s19], $0x600  }
0x12f: {  	p0 =	sne.s32 s22, s7;
	[sflag:s19] =	ssyncset.done $0x0  }
.Ltmp3:
0x130: {  	[sflag:s19] =	ssyncadd.s32 $0xFFFFFA00;
	(pc) =	sbr.rel @p0 .LBB2_1-.Ltmp3, $4  }
0x131: {  	[hbm4b:s6+s2] =	stream.linear.scatter [tilespmem:s21], [sflag:$0x3], $0x200, $0x38;
	[tilespmem:$0xB100] =	vst v63  }
0x132: {  	_ =	swait.ge [sflag:s8], $0x200  }
0x133: {  	[sflag:s8] =	ssyncset.done $0x0  }
0x134: {  	[sflag:s8] =	ssyncadd.s32 $0xFFFFFE00  }
0x135: {  	_ =	sfence.sel $0x180000  }
0x136: {  	[bflag:$0x0] =	sbarrier.arrive $0xFFFF  }
0x137: {  	p0 =	sne.s32 s1, $0x0;
	_ =	strace $0x9000004A  }
0x138: {  	s0 =	sadd.s32 @!p0 $0x100000, s0;
	[bflag:$0x2] =	sbarrier.arrive $0xFFFF  }
0x139: {  	[sflag:s0] =	ssyncadd.tile.s32 @!p0 $0x1;
	_ =	shalt  }
.Lfunc_end2:
_tile_overlayer_lowered:
.L_overlay_start_2:
0x13a: {  	(tag) =	ssettag $0x2  }
0x13b: {  	s0 =	rddreg [dreg:$0x0];
	s2 =	stileid.u32  }
0x13c: {  	s1 =	rddreg [dreg:$0x1];
	p0 =	sne.s32 s2, $0x0  }
0x13d: {  	s3 =	rddreg [dreg:$0x2];
	[bflag:$0x3] =	sbarrier.arrive $0xFFFF;
	s2 =	simm.s32 @!p0 $0x1C03  }
0x13e: {  	[timem:s3], [sflag:s2] =	dma.local @!p0 [hbm:s0], s1  }
0x13f: {  	s0 =	simm.s32 @!p0 $0x3  }
0x140: {  	_ =	swait.ge @!p0 [sflag:s0], s1  }
0x141: {  	s1 =	ssub.s32 @!p0 $0x0, s1;
	[sflag:s0] =	ssyncset.done @!p0 $0x0  }
0x142: {  	[sflag:s0] =	ssyncadd.s32 @!p0 s1  }
0x143: {  	[bflag:$0x3] =	sbarrier.arrive $0xFFFF  }
0x144: {  	_ =	shalt  }

</sc_bundles>
